<compile_context>
chip_gen: v7x
topology: tpu7x:2x2x1
jax: 0.10.2.dev20260603
libtpu: 0.0.44.dev20260713+nightly
codegen_flags: <defaults>
</compile_context>

<pallas_src>
import functools

import jax
import jax.numpy as jnp
from jax import lax
from jax.experimental import pallas as pl
from jax.experimental.pallas import tpu as pltpu
from jax.experimental.pallas import tpu_sc as plsc

N = 10000
E = 320000
G = 500
ECG = 8000
DIN = 140
H = 128
FC = 396

NC = 2
NS = 16
NT = NC * NS
CH = 128
NP = 10240
CPT = 79
CPT0 = 98
CPT1 = 60
EPT = CPT * CH
EP = NT * EPT
RPT = NP // NS
GP = 512
BR = 512
GRID_N = NP // BR



def _deg_body(dst_hbm, zeros_hbm, ones_hbm, out_hbm, acc_sh, ones_v, idx_v):
    cid = lax.axis_index("c")
    sid = lax.axis_index("s")
    wid = cid * NS + sid
    r0 = sid * RPT
    pltpu.sync_copy(zeros_hbm.at[pl.ds(r0, RPT)], acc_sh.at[pl.ds(r0, RPT)])
    pltpu.sync_copy(ones_hbm, ones_v)
    plsc.subcore_barrier()
    cpt = jnp.where(cid == 0, CPT0, CPT1)
    base = jnp.where(cid == 0, sid * CPT0, NS * CPT0 + sid * CPT1) * CH

    def chunk(c, carry):
        pltpu.sync_copy(dst_hbm.at[pl.ds(base + c * CH, CH)], idx_v.at[0])
        pltpu.sync_copy(ones_v, acc_sh.at[idx_v.at[0]], add=True)
        return carry

    lax.fori_loop(0, cpt, chunk, 0)
    plsc.subcore_barrier()
    pltpu.sync_copy(acc_sh.at[pl.ds(r0, RPT)], out_hbm.at[cid, pl.ds(r0, RPT)])


def _mp_body(hp_hbm, src_hbm, dst_hbm, zeros_hbm, out_hbm,
             acc_sh, sidx_v, didx_v, rows_v, gsem):
    cid = lax.axis_index("c")
    sid = lax.axis_index("s")
    r0 = sid * RPT
    pltpu.sync_copy(zeros_hbm.at[pl.ds(r0, RPT)], acc_sh.at[pl.ds(r0, RPT)])
    plsc.subcore_barrier()
    cpt = jnp.where(cid == 0, CPT0, CPT1)
    base = jnp.where(cid == 0, sid * CPT0, NS * CPT0 + sid * CPT1) * CH

    def chunk(c, carry):
        off = base + c * CH
        pltpu.sync_copy(src_hbm.at[pl.ds(off, CH)], sidx_v)
        pltpu.sync_copy(dst_hbm.at[pl.ds(off, CH)], didx_v.at[0])
        pltpu.async_copy(hp_hbm.at[sidx_v], rows_v, gsem).wait()
        pltpu.sync_copy(rows_v, acc_sh.at[didx_v.at[0]], add=True)
        return carry

    lax.fori_loop(0, cpt, chunk, 0)
    plsc.subcore_barrier()
    pltpu.sync_copy(acc_sh.at[pl.ds(r0, RPT)], out_hbm.at[cid, pl.ds(r0, RPT)])


def _make_sc_kernels():
    mesh = plsc.VectorSubcoreMesh(core_axis_name="c", subcore_axis_name="s")
    deg_k = pl.kernel(
        _deg_body,
        out_type=jax.ShapeDtypeStruct((NC, NP), jnp.float32),
        mesh=mesh,
        scratch_types=[
            pltpu.VMEM_SHARED((NP,), jnp.float32),
            pltpu.VMEM((CH,), jnp.float32),
            pltpu.VMEM((1, CH), jnp.int32),
        ],
    )
    mp_k = pl.kernel(
        _mp_body,
        out_type=jax.ShapeDtypeStruct((NC, NP, H), jnp.float32),
        mesh=mesh,
        scratch_types=[
            pltpu.VMEM_SHARED((NP, H), jnp.float32),
            pltpu.VMEM((CH,), jnp.int32),
            pltpu.VMEM((1, CH), jnp.int32),
            pltpu.VMEM((CH, H), jnp.float32),
            pltpu.SemaphoreType.DMA,
        ],
    )
    return deg_k, mp_k



def _dinv_block(degp_ref):
    deg = degp_ref[0] + degp_ref[1] + 1.0
    return lax.rsqrt(deg)


def _stage2_body(x_ref, w0_ref, degp_ref, h0p_ref):
    dinv = _dinv_block(degp_ref)
    h0 = jnp.dot(x_ref[...], w0_ref[...], preferred_element_type=jnp.float32)
    h0p_ref[...] = h0 * dinv


def _stage4_body(acc_ref, h0p_ref, degp_ref, b0_ref, w1_ref, h1_ref, h1p_ref):
    dinv = _dinv_block(degp_ref)
    pre = dinv * (acc_ref[0] + acc_ref[1] + h0p_ref[...]) + b0_ref[...]
    h1 = jnp.tanh(pre)
    h1_ref[...] = h1
    h1p_ref[...] = jnp.dot(h1, w1_ref[...],
                           preferred_element_type=jnp.float32) * dinv


def _stage6_body(x_ref, h1_ref, h1p_ref, acc_ref, degp_ref, b1_ref, batch_ref,
                 pooled_ref):
    i = pl.program_id(0)
    dinv = _dinv_block(degp_ref)
    pre = dinv * (acc_ref[0] + acc_ref[1] + h1p_ref[...]) + b1_ref[...]
    h2 = jnp.tanh(pre)
    xcat = jnp.concatenate([x_ref[...], h1_ref[...], h2], axis=1)
    cols = lax.broadcasted_iota(jnp.int32, (BR, GP), 1)
    oh = (jnp.broadcast_to(batch_ref[...], (BR, GP)) == cols).astype(jnp.float32)
    contrib = lax.dot_general(oh, xcat, (((0,), (0,)), ((), ())),
                              preferred_element_type=jnp.float32)

    @pl.when(i == 0)
    def _():
        pooled_ref[...] = jnp.zeros_like(pooled_ref)

    pooled_ref[...] += contrib


def _stage7_body(pooled_ref, wg_ref, atts_ref, attd_ref, bg_ref,
                 scg_ref, dcg_ref, wfa_ref, wfb_ref, bfc_ref, out_ref):
    pooled = pooled_ref[...]
    nblk = ECG // 500
    cols = lax.broadcasted_iota(jnp.int32, (500, GP), 1)
    c_mat = jnp.zeros((GP, GP), jnp.float32)
    for j in range(nblk):
        sb = scg_ref[pl.ds(j * 500, 500), :]
        db = dcg_ref[pl.ds(j * 500, 500), :]
        oh_s = (jnp.broadcast_to(sb, (500, GP)) == cols).astype(jnp.bfloat16)
        oh_d = (jnp.broadcast_to(db, (500, GP)) == cols).astype(jnp.bfloat16)
        c_mat += lax.dot_general(oh_d, oh_s, (((0,), (0,)), ((), ())),
                                 preferred_element_type=jnp.float32)
    rows_g = lax.broadcasted_iota(jnp.int32, (GP, GP), 0)
    cols_g = lax.broadcasted_iota(jnp.int32, (GP, GP), 1)
    c_mat += jnp.where((rows_g == cols_g) & (rows_g < G), 1.0, 0.0)

    hg = jnp.dot(pooled, wg_ref[...], preferred_element_type=jnp.float32)
    a_s = lax.dot_general(atts_ref[...], hg, (((1,), (1,)), ((), ())),
                          preferred_element_type=jnp.float32)
    a_d = lax.dot_general(hg, attd_ref[...], (((1,), (1,)), ((), ())),
                          preferred_element_type=jnp.float32)
    e_mat = a_d + a_s
    e_mat = jnp.where(e_mat >= 0.0, e_mat, 0.2 * e_mat)
    emax = jnp.max(jnp.where(c_mat > 0.0, e_mat, -1e30), axis=1, keepdims=True)
    emax = jnp.where(emax > -1e29, emax, 0.0)
    ex = c_mat * jnp.exp(e_mat - emax)
    den = jnp.sum(ex, axis=1, keepdims=True)
    alpha = ex / jnp.maximum(den, 1e-16)
    ctx = jnp.tanh(jnp.dot(alpha, hg, preferred_element_type=jnp.float32)
                   + bg_ref[...])
    out_ref[...] = (jnp.dot(pooled, wfa_ref[...],
                            preferred_element_type=jnp.float32)
                    + jnp.dot(ctx, wfb_ref[...],
                              preferred_element_type=jnp.float32)
                    + bfc_ref[...])


def _row_spec(cols):
    return pl.BlockSpec((BR, cols), lambda i: (i, 0))


def _fixed_spec(shape):
    nd = len(shape)
    return pl.BlockSpec(shape, lambda i, _nd=nd: (0,) * _nd)


_DEGP_SPEC = pl.BlockSpec((NC, BR, 1), lambda i: (0, i, 0))
_ACC_SPEC = pl.BlockSpec((NC, BR, H), lambda i: (0, i, 0))



def kernel(x, edge_index, batch, edge_index_cg, W0, b0, W1, b1, Wg,
           att_src, att_dst, bg, Wfc, bfc):
    src = edge_index[0].astype(jnp.int32)
    dst = edge_index[1].astype(jnp.int32)
    pad_e = EP - E
    srcp = jnp.concatenate([src, jnp.full((pad_e,), N, jnp.int32)])
    dstp = jnp.concatenate([dst, jnp.full((pad_e,), N, jnp.int32)])
    xp = jnp.pad(x, ((0, NP - N), (0, 0)))
    batchp = jnp.concatenate(
        [batch.astype(jnp.int32), jnp.full((NP - N,), GP - 1, jnp.int32)]
    ).reshape(NP, 1)
    zeros_mp = jnp.zeros((NP, H), jnp.float32)
    zeros_dg = jnp.zeros((NP,), jnp.float32)
    ones_dg = jnp.ones((CH,), jnp.float32)
    scg = edge_index_cg[0].astype(jnp.int32).reshape(ECG, 1)
    dcg = edge_index_cg[1].astype(jnp.int32).reshape(ECG, 1)
    b0r = b0.reshape(1, H)
    b1r = b1.reshape(1, H)
    bgr = bg.reshape(1, FC)
    bfcr = bfc.reshape(1, FC)
    attsr = att_src.reshape(1, FC)
    attdr = att_dst.reshape(1, FC)
    wfa = Wfc[:FC]
    wfb = Wfc[FC:]

    deg_k, mp_k = _make_sc_kernels()

    degp = deg_k(dstp, zeros_dg, ones_dg).reshape(NC, NP, 1)

    h0p = pl.pallas_call(
        _stage2_body,
        grid=(GRID_N,),
        in_specs=[_row_spec(DIN), _fixed_spec((DIN, H)), _DEGP_SPEC],
        out_specs=_row_spec(H),
        out_shape=jax.ShapeDtypeStruct((NP, H), jnp.float32),
    )(xp, W0, degp)

    acc1 = mp_k(h0p, srcp, dstp, zeros_mp)

    h1, h1p = pl.pallas_call(
        _stage4_body,
        grid=(GRID_N,),
        in_specs=[_ACC_SPEC, _row_spec(H), _DEGP_SPEC,
                  _fixed_spec((1, H)), _fixed_spec((H, H))],
        out_specs=[_row_spec(H), _row_spec(H)],
        out_shape=[jax.ShapeDtypeStruct((NP, H), jnp.float32),
                   jax.ShapeDtypeStruct((NP, H), jnp.float32)],
    )(acc1, h0p, degp, b0r, W1)

    acc2 = mp_k(h1p, srcp, dstp, zeros_mp)

    pooled = pl.pallas_call(
        _stage6_body,
        grid=(GRID_N,),
        in_specs=[_row_spec(DIN), _row_spec(H), _row_spec(H), _ACC_SPEC,
                  _DEGP_SPEC, _fixed_spec((1, H)), _row_spec(1)],
        out_specs=_fixed_spec((GP, FC)),
        out_shape=jax.ShapeDtypeStruct((GP, FC), jnp.float32),
    )(xp, h1, h1p, acc2, degp, b1r, batchp)

    outp = pl.pallas_call(
        _stage7_body,
        out_shape=jax.ShapeDtypeStruct((GP, FC), jnp.float32),
    )(pooled, Wg, attsr, attdr, bgr, scg, dcg, wfa, wfb, bfcr)

    return outp[:G]

# --- scband reference (transcript-rebuilt; emitter-appended) ---
"""Pipeline reference for scband-cfg2vec-go-g-49357764166125 (READ-ONLY COPY).

The authoritative reference and input builder live on the scoring server;
editing this copy changes nothing except your own understanding.
"""

import jax, jax.numpy as jnp
import numpy as np

N = 10000
E = 320000
G = 500
ECG = 8000
DIN = 140
H = 128
FC = 396  # 128 + 128 + 140


def gcn_conv(x, src, dst, W, b, n):
    # PyG GCNConv with added self-loops and symmetric normalization
    loops = jnp.arange(n)
    s = jnp.concatenate([src, loops])
    d = jnp.concatenate([dst, loops])
    h = x @ W
    deg = jax.ops.segment_sum(jnp.ones(s.shape[0], jnp.float32), d, num_segments=n)
    dinv = jnp.where(deg > 0, deg ** -0.5, 0.0)
    norm = dinv[s] * dinv[d]
    out = jax.ops.segment_sum(h[s] * norm[:, None], d, num_segments=n)
    return out + b


def gat_conv(x, src, dst, W, att_src, att_dst, b, n):
    # PyG GATConv, heads=1, with self-loops
    loops = jnp.arange(n)
    s = jnp.concatenate([src, loops])
    d = jnp.concatenate([dst, loops])
    h = x @ W
    a_s = h @ att_src
    a_d = h @ att_dst
    e = jax.nn.leaky_relu(a_s[s] + a_d[d], 0.2)
    emax = jax.ops.segment_max(e, d, num_segments=n)
    emax = jnp.where(jnp.isfinite(emax), emax, 0.0)
    ex = jnp.exp(e - emax[d])
    denom = jax.ops.segment_sum(ex, d, num_segments=n)
    alpha = ex / jnp.maximum(denom[d], 1e-16)
    out = jax.ops.segment_sum(h[s] * alpha[:, None], d, num_segments=n)
    return out + b


def setup_inputs(seed: int = 0) -> dict:
    key = jax.random.key(seed)
    ks = jax.random.split(key, 16)
    x = jax.random.normal(ks[0], (N, DIN), dtype=jnp.float32)
    edge_index = jax.random.randint(ks[1], (2, E), 0, N, dtype=jnp.int64)
    batch = jnp.sort(jax.random.randint(ks[2], (N,), 0, G, dtype=jnp.int64))
    edge_index_cg = jax.random.randint(ks[3], (2, ECG), 0, G, dtype=jnp.int64)
    W0 = jax.random.normal(ks[4], (DIN, H), jnp.float32) * 0.05
    b0 = jnp.zeros((H,), jnp.float32)
    W1 = jax.random.normal(ks[5], (H, H), jnp.float32) * 0.05
    b1 = jnp.zeros((H,), jnp.float32)
    Wg = jax.random.normal(ks[6], (FC, FC), jnp.float32) * 0.05
    att_src = jax.random.normal(ks[7], (FC,), jnp.float32) * 0.05
    att_dst = jax.random.normal(ks[8], (FC,), jnp.float32) * 0.05
    bg = jnp.zeros((FC,), jnp.float32)
    Wfc = jax.random.normal(ks[9], (2 * FC, FC), jnp.float32) * 0.05
    bfc = jnp.zeros((FC,), jnp.float32)
    return {"x": x, "edge_index": edge_index, "batch": batch, "edge_index_cg": edge_index_cg,
            "W0": W0, "b0": b0, "W1": W1, "b1": b1,
            "Wg": Wg, "att_src": att_src, "att_dst": att_dst, "bg": bg,
            "Wfc": Wfc, "bfc": bfc}


def reference(x, edge_index, batch, edge_index_cg, W0, b0, W1, b1, Wg, att_src, att_dst, bg, Wfc, bfc):
    src, dst = edge_index[0], edge_index[1]
    outputs = [x]
    h = jnp.tanh(gcn_conv(x, src, dst, W0, b0, N))
    outputs.append(h)
    h = jnp.tanh(gcn_conv(h, src, dst, W1, b1, N))
    outputs.append(h)
    xcat = jnp.concatenate(outputs, axis=-1)  # [N, FC]
    # dropout in eval mode = identity
    pooled = jax.ops.segment_sum(xcat, batch, num_segments=G)  # global_add_pool
    x_context = jnp.tanh(gat_conv(pooled, edge_index_cg[0], edge_index_cg[1], Wg, att_src, att_dst, bg, G))
    z = jnp.concatenate([pooled, x_context], axis=1)
    out = z @ Wfc + bfc
    return out

if __name__ == "__main__":
    import jax
    _d = setup_inputs()
    print(jax.jit(kernel)(*tuple(_d.values())))

</pallas_src>

<mosaic_0001>
#map = affine_map<(d0, d1) -> (0)>
#map1 = affine_map<(d0, d1) -> (0, 0)>
module attributes {stable_mosaic.version = 14 : i64} {
  func.func @_deg_body(%arg0: i32, %arg1: i32, %arg2: memref<323584xi32, #tpu.memory_space<hbm>>, %arg3: memref<10240xf32, #tpu.memory_space<hbm>>, %arg4: memref<128xf32, #tpu.memory_space<hbm>>, %arg5: memref<2x10240xf32, #tpu.memory_space<hbm>>, %arg6: memref<10240xf32, #tpu.memory_space<vmem_shared>>, %arg7: memref<128xf32, #tpu.memory_space<vmem>>, %arg8: memref<1x128xi32, #tpu.memory_space<vmem>>) attributes {dimension_semantics = [#tpu.dimension_semantics<core_parallel>, #tpu.dimension_semantics<subcore_parallel>], iteration_bounds = array<i64: 2, 16>, scalar_prefetch = 0 : i64, scratch_operands = 3 : i64, tpu.core_type = #tpu.core_type<sc_vector_subcore>, window_params = [{transform_indices = #map}, {transform_indices = #map}, {transform_indices = #map}, {transform_indices = #map1}]} {
    %mul3A = arith.constant 16 : i32
    %mul3A_0 = arith.muli %arg0, %mul3A : i32
    %add3A = arith.addi %mul3A_0, %arg1 : i32
    %mul3A_1 = arith.constant 640 : i32
    %mul3A_2 = arith.muli %arg1, %mul3A_1 : i32
    "tpu.region"() ({
      %run_scoped3A = tpu.sem_alloc : memref<!tpu.dma_semaphore, #tpu.memory_space<semaphore_mem>>
      %dma_start3A = tpu.memref_slice %arg6[%mul3A_2] : memref<10240xf32, #tpu.memory_space<vmem_shared>> -> memref<640xf32, #tpu.memory_space<vmem_shared>>
      %dma_start3A_26 = tpu.memref_slice %arg3[%mul3A_2] : memref<10240xf32, #tpu.memory_space<hbm>> -> memref<640xf32, #tpu.memory_space<hbm>>
      tpu.enqueue_dma source(%dma_start3A_26 : memref<640xf32, #tpu.memory_space<hbm>>) target(%dma_start3A : memref<640xf32, #tpu.memory_space<vmem_shared>>) target_semaphore(%run_scoped3A : memref<!tpu.dma_semaphore, #tpu.memory_space<semaphore_mem>>)
      %dma_wait3A = tpu.memref_slice %arg6[%mul3A_2] : memref<10240xf32, #tpu.memory_space<vmem_shared>> -> memref<640xf32, #tpu.memory_space<vmem_shared>>
      %dma_wait3A_27 = tpu.memref_slice %arg3[%mul3A_2] : memref<10240xf32, #tpu.memory_space<hbm>> -> memref<640xf32, #tpu.memory_space<hbm>>
      tpu.wait_dma2 semaphore(%run_scoped3A : memref<!tpu.dma_semaphore, #tpu.memory_space<semaphore_mem>>) src(%dma_wait3A_27 : memref<640xf32, #tpu.memory_space<hbm>>) dst(%dma_wait3A : memref<640xf32, #tpu.memory_space<vmem_shared>>)
      tpu.yield
    }) : () -> ()
    "tpu.region"() ({
      %run_scoped3A = tpu.sem_alloc : memref<!tpu.dma_semaphore, #tpu.memory_space<semaphore_mem>>
      tpu.enqueue_dma source(%arg4 : memref<128xf32, #tpu.memory_space<hbm>>) target(%arg7 : memref<128xf32, #tpu.memory_space<vmem>>) target_semaphore(%run_scoped3A : memref<!tpu.dma_semaphore, #tpu.memory_space<semaphore_mem>>)
      tpu.wait_dma2 semaphore(%run_scoped3A : memref<!tpu.dma_semaphore, #tpu.memory_space<semaphore_mem>>) src(%arg4 : memref<128xf32, #tpu.memory_space<hbm>>) dst(%arg7 : memref<128xf32, #tpu.memory_space<vmem>>)
      tpu.yield
    }) : () -> ()
    %barrier3A = arith.constant 0 : index
    tpu.barrier barrier_id(%barrier3A)
    %eq3A = arith.constant 0 : i32
    %eq3A_3 = arith.cmpi eq, %arg0, %eq3A : i32
    %jit3A = arith.constant 98 : i32
    %jit3A_4 = arith.constant 60 : i32
    %select_n3A = arith.select %eq3A_3, %jit3A, %jit3A_4 : i32
    %eq3A_5 = arith.constant 0 : i32
    %eq3A_6 = arith.cmpi eq, %arg0, %eq3A_5 : i32
    %mul3A_7 = arith.constant 98 : i32
    %mul3A_8 = arith.muli %arg1, %mul3A_7 : i32
    %mul3A_9 = arith.constant 60 : i32
    %mul3A_10 = arith.muli %arg1, %mul3A_9 : i32
    %add3A_11 = arith.constant 1568 : i32
    %add3A_12 = arith.addi %add3A_11, %mul3A_10 : i32
    %select_n3A_13 = arith.select %eq3A_6, %mul3A_8, %add3A_12 : i32
    %mul3A_14 = arith.constant 128 : i32
    %mul3A_15 = arith.muli %select_n3A_13, %mul3A_14 : i32
    %while3A = arith.constant 0 : i32
    %while3A_16 = arith.constant 0 : i32
    %while3A_17 = arith.subi %select_n3A, %while3A_16 : i32
    %while3A_18 = arith.addi %while3A_16, %while3A_17 : i32
    %while3A_19 = arith.constant 1 : i32
    %while3A_20 = arith.divsi %while3A_17, %while3A_19 : i32
    %while3A_21 = arith.muli %while3A_20, %while3A_19 : i32
    %while3A_22 = arith.addi %while3A_16, %while3A_21 : i32
    %while3A_23 = arith.constant 1 : i32
    scf.for %while3A_26 = %while3A_16 to %while3A_22 step %while3A_23  : i32 {
      %mul3A_27 = arith.constant 128 : i32
      %mul3A_28 = arith.muli %while3A_26, %mul3A_27 : i32
      %add3A_29 = arith.addi %mul3A_15, %mul3A_28 : i32
      %run_scoped3A = arith.constant 0 : i32
      "tpu.region"() ({
        %run_scoped3A_31 = tpu.sem_alloc : memref<!tpu.dma_semaphore, #tpu.memory_space<semaphore_mem>>
        %dma_start3A = arith.constant 0 : i32
        %dma_start3A_32 = tpu.memref_slice %arg8[%run_scoped3A, %dma_start3A] : memref<1x128xi32, #tpu.memory_space<vmem>> -> memref<1x128xi32, #tpu.memory_space<vmem>>
        %dma_start3A_33 = tpu.memref_squeeze %dma_start3A_32 : memref<1x128xi32, #tpu.memory_space<vmem>> -> memref<128xi32, #tpu.memory_space<vmem>>
        %dma_start3A_34 = tpu.memref_slice %arg2[%add3A_29] : memref<323584xi32, #tpu.memory_space<hbm>> -> memref<128xi32, #tpu.memory_space<hbm>>
        %dma_start3A_35 = arith.constant 0 : i32
        %dma_start3A_36 = tpu.memref_slice %arg8[%run_scoped3A, %dma_start3A_35] : memref<1x128xi32, #tpu.memory_space<vmem>> -> memref<1x128xi32, #tpu.memory_space<vmem>>
        %dma_start3A_37 = tpu.memref_squeeze %dma_start3A_36 : memref<1x128xi32, #tpu.memory_space<vmem>> -> memref<128xi32, #tpu.memory_space<vmem>>
        %dma_start3A_38 = tpu.memref_slice %arg2[%add3A_29] : memref<323584xi32, #tpu.memory_space<hbm>> -> memref<128xi32, #tpu.memory_space<hbm>>
        tpu.enqueue_dma source(%dma_start3A_38 : memref<128xi32, #tpu.memory_space<hbm>>) target(%dma_start3A_37 : memref<128xi32, #tpu.memory_space<vmem>>) target_semaphore(%run_scoped3A_31 : memref<!tpu.dma_semaphore, #tpu.memory_space<semaphore_mem>>)
        %dma_wait3A = arith.constant 0 : i32
        %dma_wait3A_39 = tpu.memref_slice %arg8[%run_scoped3A, %dma_wait3A] : memref<1x128xi32, #tpu.memory_space<vmem>> -> memref<1x128xi32, #tpu.memory_space<vmem>>
        %dma_wait3A_40 = tpu.memref_squeeze %dma_wait3A_39 : memref<1x128xi32, #tpu.memory_space<vmem>> -> memref<128xi32, #tpu.memory_space<vmem>>
        %dma_wait3A_41 = tpu.memref_slice %arg2[%add3A_29] : memref<323584xi32, #tpu.memory_space<hbm>> -> memref<128xi32, #tpu.memory_space<hbm>>
        %dma_wait3A_42 = arith.constant 0 : i32
        %dma_wait3A_43 = tpu.memref_slice %arg8[%run_scoped3A, %dma_wait3A_42] : memref<1x128xi32, #tpu.memory_space<vmem>> -> memref<1x128xi32, #tpu.memory_space<vmem>>
        %dma_wait3A_44 = tpu.memref_squeeze %dma_wait3A_43 : memref<1x128xi32, #tpu.memory_space<vmem>> -> memref<128xi32, #tpu.memory_space<vmem>>
        %dma_wait3A_45 = tpu.memref_slice %arg2[%add3A_29] : memref<323584xi32, #tpu.memory_space<hbm>> -> memref<128xi32, #tpu.memory_space<hbm>>
        tpu.wait_dma2 semaphore(%run_scoped3A_31 : memref<!tpu.dma_semaphore, #tpu.memory_space<semaphore_mem>>) src(%dma_wait3A_45 : memref<128xi32, #tpu.memory_space<hbm>>) dst(%dma_wait3A_44 : memref<128xi32, #tpu.memory_space<vmem>>)
        tpu.yield
      }) : () -> ()
      %run_scoped3A_30 = arith.constant 0 : i32
      "tpu.region"() ({
        %run_scoped3A_31 = tpu.sem_alloc : memref<!tpu.dma_semaphore, #tpu.memory_space<semaphore_mem>>
        %dma_start3A = arith.constant 0 : i32
        %dma_start3A_32 = tpu.memref_slice %arg8[%run_scoped3A_30, %dma_start3A] : memref<1x128xi32, #tpu.memory_space<vmem>> -> memref<1x128xi32, #tpu.memory_space<vmem>>
        %dma_start3A_33 = tpu.memref_squeeze %dma_start3A_32 : memref<1x128xi32, #tpu.memory_space<vmem>> -> memref<128xi32, #tpu.memory_space<vmem>>
        %dma_start3A_34 = arith.constant 0 : i32
        %dma_start3A_35 = tpu.memref_slice %arg6[%dma_start3A_34] : memref<10240xf32, #tpu.memory_space<vmem_shared>> -> memref<10240xf32, #tpu.memory_space<vmem_shared>>
        tpu.enqueue_indirect_dma source(%arg7 : memref<128xf32, #tpu.memory_space<vmem>>) target(%dma_start3A_35 : memref<10240xf32, #tpu.memory_space<vmem_shared>>) offsets(%dma_start3A_33 : memref<128xi32, #tpu.memory_space<vmem>>) semaphore(%run_scoped3A_31 : memref<!tpu.dma_semaphore, #tpu.memory_space<semaphore_mem>>) {add = true}
        %dma_wait3A = arith.constant 0 : i32
        %dma_wait3A_36 = tpu.memref_slice %arg8[%run_scoped3A_30, %dma_wait3A] : memref<1x128xi32, #tpu.memory_space<vmem>> -> memref<1x128xi32, #tpu.memory_space<vmem>>
        %dma_wait3A_37 = tpu.memref_squeeze %dma_wait3A_36 : memref<1x128xi32, #tpu.memory_space<vmem>> -> memref<128xi32, #tpu.memory_space<vmem>>
        %dma_wait3A_38 = arith.constant 0 : i32
        %dma_wait3A_39 = tpu.memref_slice %arg6[%dma_wait3A_38] : memref<10240xf32, #tpu.memory_space<vmem_shared>> -> memref<10240xf32, #tpu.memory_space<vmem_shared>>
        tpu.wait_indirect_dma semaphore(%run_scoped3A_31 : memref<!tpu.dma_semaphore, #tpu.memory_space<semaphore_mem>>) src(%arg7 : memref<128xf32, #tpu.memory_space<vmem>>) dst(%dma_wait3A_39 : memref<10240xf32, #tpu.memory_space<vmem_shared>>)
        tpu.yield
      }) : () -> ()
    }
    %while3A_24 = arith.constant 1 : i32
    scf.for %while3A_26 = %while3A_22 to %while3A_18 step %while3A_24  : i32 {
      %mul3A_27 = arith.constant 128 : i32
      %mul3A_28 = arith.muli %while3A_26, %mul3A_27 : i32
      %add3A_29 = arith.addi %mul3A_15, %mul3A_28 : i32
      %run_scoped3A = arith.constant 0 : i32
      "tpu.region"() ({
        %run_scoped3A_31 = tpu.sem_alloc : memref<!tpu.dma_semaphore, #tpu.memory_space<semaphore_mem>>
        %dma_start3A = arith.constant 0 : i32
        %dma_start3A_32 = tpu.memref_slice %arg8[%run_scoped3A, %dma_start3A] : memref<1x128xi32, #tpu.memory_space<vmem>> -> memref<1x128xi32, #tpu.memory_space<vmem>>
        %dma_start3A_33 = tpu.memref_squeeze %dma_start3A_32 : memref<1x128xi32, #tpu.memory_space<vmem>> -> memref<128xi32, #tpu.memory_space<vmem>>
        %dma_start3A_34 = tpu.memref_slice %arg2[%add3A_29] : memref<323584xi32, #tpu.memory_space<hbm>> -> memref<128xi32, #tpu.memory_space<hbm>>
        %dma_start3A_35 = arith.constant 0 : i32
        %dma_start3A_36 = tpu.memref_slice %arg8[%run_scoped3A, %dma_start3A_35] : memref<1x128xi32, #tpu.memory_space<vmem>> -> memref<1x128xi32, #tpu.memory_space<vmem>>
        %dma_start3A_37 = tpu.memref_squeeze %dma_start3A_36 : memref<1x128xi32, #tpu.memory_space<vmem>> -> memref<128xi32, #tpu.memory_space<vmem>>
        %dma_start3A_38 = tpu.memref_slice %arg2[%add3A_29] : memref<323584xi32, #tpu.memory_space<hbm>> -> memref<128xi32, #tpu.memory_space<hbm>>
        tpu.enqueue_dma source(%dma_start3A_38 : memref<128xi32, #tpu.memory_space<hbm>>) target(%dma_start3A_37 : memref<128xi32, #tpu.memory_space<vmem>>) target_semaphore(%run_scoped3A_31 : memref<!tpu.dma_semaphore, #tpu.memory_space<semaphore_mem>>)
        %dma_wait3A = arith.constant 0 : i32
        %dma_wait3A_39 = tpu.memref_slice %arg8[%run_scoped3A, %dma_wait3A] : memref<1x128xi32, #tpu.memory_space<vmem>> -> memref<1x128xi32, #tpu.memory_space<vmem>>
        %dma_wait3A_40 = tpu.memref_squeeze %dma_wait3A_39 : memref<1x128xi32, #tpu.memory_space<vmem>> -> memref<128xi32, #tpu.memory_space<vmem>>
        %dma_wait3A_41 = tpu.memref_slice %arg2[%add3A_29] : memref<323584xi32, #tpu.memory_space<hbm>> -> memref<128xi32, #tpu.memory_space<hbm>>
        %dma_wait3A_42 = arith.constant 0 : i32
        %dma_wait3A_43 = tpu.memref_slice %arg8[%run_scoped3A, %dma_wait3A_42] : memref<1x128xi32, #tpu.memory_space<vmem>> -> memref<1x128xi32, #tpu.memory_space<vmem>>
        %dma_wait3A_44 = tpu.memref_squeeze %dma_wait3A_43 : memref<1x128xi32, #tpu.memory_space<vmem>> -> memref<128xi32, #tpu.memory_space<vmem>>
        %dma_wait3A_45 = tpu.memref_slice %arg2[%add3A_29] : memref<323584xi32, #tpu.memory_space<hbm>> -> memref<128xi32, #tpu.memory_space<hbm>>
        tpu.wait_dma2 semaphore(%run_scoped3A_31 : memref<!tpu.dma_semaphore, #tpu.memory_space<semaphore_mem>>) src(%dma_wait3A_45 : memref<128xi32, #tpu.memory_space<hbm>>) dst(%dma_wait3A_44 : memref<128xi32, #tpu.memory_space<vmem>>)
        tpu.yield
      }) : () -> ()
      %run_scoped3A_30 = arith.constant 0 : i32
      "tpu.region"() ({
        %run_scoped3A_31 = tpu.sem_alloc : memref<!tpu.dma_semaphore, #tpu.memory_space<semaphore_mem>>
        %dma_start3A = arith.constant 0 : i32
        %dma_start3A_32 = tpu.memref_slice %arg8[%run_scoped3A_30, %dma_start3A] : memref<1x128xi32, #tpu.memory_space<vmem>> -> memref<1x128xi32, #tpu.memory_space<vmem>>
        %dma_start3A_33 = tpu.memref_squeeze %dma_start3A_32 : memref<1x128xi32, #tpu.memory_space<vmem>> -> memref<128xi32, #tpu.memory_space<vmem>>
        %dma_start3A_34 = arith.constant 0 : i32
        %dma_start3A_35 = tpu.memref_slice %arg6[%dma_start3A_34] : memref<10240xf32, #tpu.memory_space<vmem_shared>> -> memref<10240xf32, #tpu.memory_space<vmem_shared>>
        tpu.enqueue_indirect_dma source(%arg7 : memref<128xf32, #tpu.memory_space<vmem>>) target(%dma_start3A_35 : memref<10240xf32, #tpu.memory_space<vmem_shared>>) offsets(%dma_start3A_33 : memref<128xi32, #tpu.memory_space<vmem>>) semaphore(%run_scoped3A_31 : memref<!tpu.dma_semaphore, #tpu.memory_space<semaphore_mem>>) {add = true}
        %dma_wait3A = arith.constant 0 : i32
        %dma_wait3A_36 = tpu.memref_slice %arg8[%run_scoped3A_30, %dma_wait3A] : memref<1x128xi32, #tpu.memory_space<vmem>> -> memref<1x128xi32, #tpu.memory_space<vmem>>
        %dma_wait3A_37 = tpu.memref_squeeze %dma_wait3A_36 : memref<1x128xi32, #tpu.memory_space<vmem>> -> memref<128xi32, #tpu.memory_space<vmem>>
        %dma_wait3A_38 = arith.constant 0 : i32
        %dma_wait3A_39 = tpu.memref_slice %arg6[%dma_wait3A_38] : memref<10240xf32, #tpu.memory_space<vmem_shared>> -> memref<10240xf32, #tpu.memory_space<vmem_shared>>
        tpu.wait_indirect_dma semaphore(%run_scoped3A_31 : memref<!tpu.dma_semaphore, #tpu.memory_space<semaphore_mem>>) src(%arg7 : memref<128xf32, #tpu.memory_space<vmem>>) dst(%dma_wait3A_39 : memref<10240xf32, #tpu.memory_space<vmem_shared>>)
        tpu.yield
      }) : () -> ()
    }
    %barrier3A_25 = arith.constant 0 : index
    tpu.barrier barrier_id(%barrier3A_25)
    "tpu.region"() ({
      %run_scoped3A = tpu.sem_alloc : memref<!tpu.dma_semaphore, #tpu.memory_space<semaphore_mem>>
      %dma_start3A = tpu.memref_slice %arg5[%arg0, %mul3A_2] : memref<2x10240xf32, #tpu.memory_space<hbm>> -> memref<1x640xf32, #tpu.memory_space<hbm>>
      %dma_start3A_26 = tpu.memref_squeeze %dma_start3A : memref<1x640xf32, #tpu.memory_space<hbm>> -> memref<640xf32, #tpu.memory_space<hbm>>
      %dma_start3A_27 = tpu.memref_slice %arg6[%mul3A_2] : memref<10240xf32, #tpu.memory_space<vmem_shared>> -> memref<640xf32, #tpu.memory_space<vmem_shared>>
      tpu.enqueue_dma source(%dma_start3A_27 : memref<640xf32, #tpu.memory_space<vmem_shared>>) target(%dma_start3A_26 : memref<640xf32, #tpu.memory_space<hbm>>) target_semaphore(%run_scoped3A : memref<!tpu.dma_semaphore, #tpu.memory_space<semaphore_mem>>)
      %dma_wait3A = tpu.memref_slice %arg5[%arg0, %mul3A_2] : memref<2x10240xf32, #tpu.memory_space<hbm>> -> memref<1x640xf32, #tpu.memory_space<hbm>>
      %dma_wait3A_28 = tpu.memref_squeeze %dma_wait3A : memref<1x640xf32, #tpu.memory_space<hbm>> -> memref<640xf32, #tpu.memory_space<hbm>>
      %dma_wait3A_29 = tpu.memref_slice %arg6[%mul3A_2] : memref<10240xf32, #tpu.memory_space<vmem_shared>> -> memref<640xf32, #tpu.memory_space<vmem_shared>>
      tpu.wait_dma2 semaphore(%run_scoped3A : memref<!tpu.dma_semaphore, #tpu.memory_space<semaphore_mem>>) src(%dma_wait3A_29 : memref<640xf32, #tpu.memory_space<vmem_shared>>) dst(%dma_wait3A_28 : memref<640xf32, #tpu.memory_space<hbm>>)
      tpu.yield
    }) : () -> ()
    return
  }
}

#map = affine_map<(d0, d1) -> (0, 0)>
#map1 = affine_map<(d0, d1) -> (0)>
#map2 = affine_map<(d0, d1) -> (0, 0, 0)>
module attributes {stable_mosaic.version = 14 : i64} {
  func.func @_mp_body(%arg0: i32, %arg1: i32, %arg2: memref<10240x128xf32, #tpu.memory_space<hbm>>, %arg3: memref<323584xi32, #tpu.memory_space<hbm>>, %arg4: memref<323584xi32, #tpu.memory_space<hbm>>, %arg5: memref<10240x128xf32, #tpu.memory_space<hbm>>, %arg6: memref<2x10240x128xf32, #tpu.memory_space<hbm>>, %arg7: memref<10240x128xf32, #tpu.memory_space<vmem_shared>>, %arg8: memref<128xi32, #tpu.memory_space<vmem>>, %arg9: memref<1x128xi32, #tpu.memory_space<vmem>>, %arg10: memref<128x128xf32, #tpu.memory_space<vmem>>, %arg11: memref<!tpu.dma_semaphore, #tpu.memory_space<semaphore_mem>>) attributes {dimension_semantics = [#tpu.dimension_semantics<core_parallel>, #tpu.dimension_semantics<subcore_parallel>], iteration_bounds = array<i64: 2, 16>, scalar_prefetch = 0 : i64, scratch_operands = 5 : i64, tpu.core_type = #tpu.core_type<sc_vector_subcore>, window_params = [{transform_indices = #map}, {transform_indices = #map1}, {transform_indices = #map1}, {transform_indices = #map}, {transform_indices = #map2}]} {
    %mul3A = arith.constant 640 : i32
    %mul3A_0 = arith.muli %arg1, %mul3A : i32
    "tpu.region"() ({
      %run_scoped3A = tpu.sem_alloc : memref<!tpu.dma_semaphore, #tpu.memory_space<semaphore_mem>>
      %dma_start3A = arith.constant 0 : i32
      %dma_start3A_23 = tpu.memref_slice %arg7[%mul3A_0, %dma_start3A] : memref<10240x128xf32, #tpu.memory_space<vmem_shared>> -> memref<640x128xf32, #tpu.memory_space<vmem_shared>>
      %dma_start3A_24 = arith.constant 0 : i32
      %dma_start3A_25 = tpu.memref_slice %arg5[%mul3A_0, %dma_start3A_24] : memref<10240x128xf32, #tpu.memory_space<hbm>> -> memref<640x128xf32, #tpu.memory_space<hbm>>
      tpu.enqueue_dma source(%dma_start3A_25 : memref<640x128xf32, #tpu.memory_space<hbm>>) target(%dma_start3A_23 : memref<640x128xf32, #tpu.memory_space<vmem_shared>>) target_semaphore(%run_scoped3A : memref<!tpu.dma_semaphore, #tpu.memory_space<semaphore_mem>>)
      %dma_wait3A = arith.constant 0 : i32
      %dma_wait3A_26 = tpu.memref_slice %arg7[%mul3A_0, %dma_wait3A] : memref<10240x128xf32, #tpu.memory_space<vmem_shared>> -> memref<640x128xf32, #tpu.memory_space<vmem_shared>>
      %dma_wait3A_27 = arith.constant 0 : i32
      %dma_wait3A_28 = tpu.memref_slice %arg5[%mul3A_0, %dma_wait3A_27] : memref<10240x128xf32, #tpu.memory_space<hbm>> -> memref<640x128xf32, #tpu.memory_space<hbm>>
      tpu.wait_dma2 semaphore(%run_scoped3A : memref<!tpu.dma_semaphore, #tpu.memory_space<semaphore_mem>>) src(%dma_wait3A_28 : memref<640x128xf32, #tpu.memory_space<hbm>>) dst(%dma_wait3A_26 : memref<640x128xf32, #tpu.memory_space<vmem_shared>>)
      tpu.yield
    }) : () -> ()
    %barrier3A = arith.constant 0 : index
    tpu.barrier barrier_id(%barrier3A)
    %eq3A = arith.constant 0 : i32
    %eq3A_1 = arith.cmpi eq, %arg0, %eq3A : i32
    %jit3A = arith.constant 98 : i32
    %jit3A_2 = arith.constant 60 : i32
    %select_n3A = arith.select %eq3A_1, %jit3A, %jit3A_2 : i32
    %eq3A_3 = arith.constant 0 : i32
    %eq3A_4 = arith.cmpi eq, %arg0, %eq3A_3 : i32
    %mul3A_5 = arith.constant 98 : i32
    %mul3A_6 = arith.muli %arg1, %mul3A_5 : i32
    %mul3A_7 = arith.constant 60 : i32
    %mul3A_8 = arith.muli %arg1, %mul3A_7 : i32
    %add3A = arith.constant 1568 : i32
    %add3A_9 = arith.addi %add3A, %mul3A_8 : i32
    %select_n3A_10 = arith.select %eq3A_4, %mul3A_6, %add3A_9 : i32
    %mul3A_11 = arith.constant 128 : i32
    %mul3A_12 = arith.muli %select_n3A_10, %mul3A_11 : i32
    %while3A = arith.constant 0 : i32
    %while3A_13 = arith.constant 0 : i32
    %while3A_14 = arith.subi %select_n3A, %while3A_13 : i32
    %while3A_15 = arith.addi %while3A_13, %while3A_14 : i32
    %while3A_16 = arith.constant 1 : i32
    %while3A_17 = arith.divsi %while3A_14, %while3A_16 : i32
    %while3A_18 = arith.muli %while3A_17, %while3A_16 : i32
    %while3A_19 = arith.addi %while3A_13, %while3A_18 : i32
    %while3A_20 = arith.constant 1 : i32
    scf.for %while3A_23 = %while3A_13 to %while3A_19 step %while3A_20  : i32 {
      %mul3A_24 = arith.constant 128 : i32
      %mul3A_25 = arith.muli %while3A_23, %mul3A_24 : i32
      %add3A_26 = arith.addi %mul3A_12, %mul3A_25 : i32
      "tpu.region"() ({
        %run_scoped3A_32 = tpu.sem_alloc : memref<!tpu.dma_semaphore, #tpu.memory_space<semaphore_mem>>
        %dma_start3A_33 = tpu.memref_slice %arg3[%add3A_26] : memref<323584xi32, #tpu.memory_space<hbm>> -> memref<128xi32, #tpu.memory_space<hbm>>
        %dma_start3A_34 = tpu.memref_slice %arg3[%add3A_26] : memref<323584xi32, #tpu.memory_space<hbm>> -> memref<128xi32, #tpu.memory_space<hbm>>
        tpu.enqueue_dma source(%dma_start3A_34 : memref<128xi32, #tpu.memory_space<hbm>>) target(%arg8 : memref<128xi32, #tpu.memory_space<vmem>>) target_semaphore(%run_scoped3A_32 : memref<!tpu.dma_semaphore, #tpu.memory_space<semaphore_mem>>)
        %dma_wait3A_35 = tpu.memref_slice %arg3[%add3A_26] : memref<323584xi32, #tpu.memory_space<hbm>> -> memref<128xi32, #tpu.memory_space<hbm>>
        %dma_wait3A_36 = tpu.memref_slice %arg3[%add3A_26] : memref<323584xi32, #tpu.memory_space<hbm>> -> memref<128xi32, #tpu.memory_space<hbm>>
        tpu.wait_dma2 semaphore(%run_scoped3A_32 : memref<!tpu.dma_semaphore, #tpu.memory_space<semaphore_mem>>) src(%dma_wait3A_36 : memref<128xi32, #tpu.memory_space<hbm>>) dst(%arg8 : memref<128xi32, #tpu.memory_space<vmem>>)
        tpu.yield
      }) : () -> ()
      %run_scoped3A = arith.constant 0 : i32
      "tpu.region"() ({
        %run_scoped3A_32 = tpu.sem_alloc : memref<!tpu.dma_semaphore, #tpu.memory_space<semaphore_mem>>
        %dma_start3A_33 = arith.constant 0 : i32
        %dma_start3A_34 = tpu.memref_slice %arg9[%run_scoped3A, %dma_start3A_33] : memref<1x128xi32, #tpu.memory_space<vmem>> -> memref<1x128xi32, #tpu.memory_space<vmem>>
        %dma_start3A_35 = tpu.memref_squeeze %dma_start3A_34 : memref<1x128xi32, #tpu.memory_space<vmem>> -> memref<128xi32, #tpu.memory_space<vmem>>
        %dma_start3A_36 = tpu.memref_slice %arg4[%add3A_26] : memref<323584xi32, #tpu.memory_space<hbm>> -> memref<128xi32, #tpu.memory_space<hbm>>
        %dma_start3A_37 = arith.constant 0 : i32
        %dma_start3A_38 = tpu.memref_slice %arg9[%run_scoped3A, %dma_start3A_37] : memref<1x128xi32, #tpu.memory_space<vmem>> -> memref<1x128xi32, #tpu.memory_space<vmem>>
        %dma_start3A_39 = tpu.memref_squeeze %dma_start3A_38 : memref<1x128xi32, #tpu.memory_space<vmem>> -> memref<128xi32, #tpu.memory_space<vmem>>
        %dma_start3A_40 = tpu.memref_slice %arg4[%add3A_26] : memref<323584xi32, #tpu.memory_space<hbm>> -> memref<128xi32, #tpu.memory_space<hbm>>
        tpu.enqueue_dma source(%dma_start3A_40 : memref<128xi32, #tpu.memory_space<hbm>>) target(%dma_start3A_39 : memref<128xi32, #tpu.memory_space<vmem>>) target_semaphore(%run_scoped3A_32 : memref<!tpu.dma_semaphore, #tpu.memory_space<semaphore_mem>>)
        %dma_wait3A_41 = arith.constant 0 : i32
        %dma_wait3A_42 = tpu.memref_slice %arg9[%run_scoped3A, %dma_wait3A_41] : memref<1x128xi32, #tpu.memory_space<vmem>> -> memref<1x128xi32, #tpu.memory_space<vmem>>
        %dma_wait3A_43 = tpu.memref_squeeze %dma_wait3A_42 : memref<1x128xi32, #tpu.memory_space<vmem>> -> memref<128xi32, #tpu.memory_space<vmem>>
        %dma_wait3A_44 = tpu.memref_slice %arg4[%add3A_26] : memref<323584xi32, #tpu.memory_space<hbm>> -> memref<128xi32, #tpu.memory_space<hbm>>
        %dma_wait3A_45 = arith.constant 0 : i32
        %dma_wait3A_46 = tpu.memref_slice %arg9[%run_scoped3A, %dma_wait3A_45] : memref<1x128xi32, #tpu.memory_space<vmem>> -> memref<1x128xi32, #tpu.memory_space<vmem>>
        %dma_wait3A_47 = tpu.memref_squeeze %dma_wait3A_46 : memref<1x128xi32, #tpu.memory_space<vmem>> -> memref<128xi32, #tpu.memory_space<vmem>>
        %dma_wait3A_48 = tpu.memref_slice %arg4[%add3A_26] : memref<323584xi32, #tpu.memory_space<hbm>> -> memref<128xi32, #tpu.memory_space<hbm>>
        tpu.wait_dma2 semaphore(%run_scoped3A_32 : memref<!tpu.dma_semaphore, #tpu.memory_space<semaphore_mem>>) src(%dma_wait3A_48 : memref<128xi32, #tpu.memory_space<hbm>>) dst(%dma_wait3A_47 : memref<128xi32, #tpu.memory_space<vmem>>)
        tpu.yield
      }) : () -> ()
      %dma_start3A = arith.constant 0 : i32
      %dma_start3A_27 = arith.constant 0 : i32
      %dma_start3A_28 = tpu.memref_slice %arg2[%dma_start3A, %dma_start3A_27] : memref<10240x128xf32, #tpu.memory_space<hbm>> -> memref<10240x128xf32, #tpu.memory_space<hbm>>
      tpu.enqueue_indirect_dma source(%dma_start3A_28 : memref<10240x128xf32, #tpu.memory_space<hbm>>) target(%arg10 : memref<128x128xf32, #tpu.memory_space<vmem>>) offsets(%arg8 : memref<128xi32, #tpu.memory_space<vmem>>) semaphore(%arg11 : memref<!tpu.dma_semaphore, #tpu.memory_space<semaphore_mem>>)
      %dma_wait3A = arith.constant 0 : i32
      %dma_wait3A_29 = arith.constant 0 : i32
      %dma_wait3A_30 = tpu.memref_slice %arg2[%dma_wait3A, %dma_wait3A_29] : memref<10240x128xf32, #tpu.memory_space<hbm>> -> memref<10240x128xf32, #tpu.memory_space<hbm>>
      tpu.wait_indirect_dma semaphore(%arg11 : memref<!tpu.dma_semaphore, #tpu.memory_space<semaphore_mem>>) src(%dma_wait3A_30 : memref<10240x128xf32, #tpu.memory_space<hbm>>) dst(%arg10 : memref<128x128xf32, #tpu.memory_space<vmem>>)
      %run_scoped3A_31 = arith.constant 0 : i32
      "tpu.region"() ({
        %run_scoped3A_32 = tpu.sem_alloc : memref<!tpu.dma_semaphore, #tpu.memory_space<semaphore_mem>>
        %dma_start3A_33 = arith.constant 0 : i32
        %dma_start3A_34 = tpu.memref_slice %arg9[%run_scoped3A_31, %dma_start3A_33] : memref<1x128xi32, #tpu.memory_space<vmem>> -> memref<1x128xi32, #tpu.memory_space<vmem>>
        %dma_start3A_35 = tpu.memref_squeeze %dma_start3A_34 : memref<1x128xi32, #tpu.memory_space<vmem>> -> memref<128xi32, #tpu.memory_space<vmem>>
        %dma_start3A_36 = arith.constant 0 : i32
        %dma_start3A_37 = arith.constant 0 : i32
        %dma_start3A_38 = tpu.memref_slice %arg7[%dma_start3A_36, %dma_start3A_37] : memref<10240x128xf32, #tpu.memory_space<vmem_shared>> -> memref<10240x128xf32, #tpu.memory_space<vmem_shared>>
        tpu.enqueue_indirect_dma source(%arg10 : memref<128x128xf32, #tpu.memory_space<vmem>>) target(%dma_start3A_38 : memref<10240x128xf32, #tpu.memory_space<vmem_shared>>) offsets(%dma_start3A_35 : memref<128xi32, #tpu.memory_space<vmem>>) semaphore(%run_scoped3A_32 : memref<!tpu.dma_semaphore, #tpu.memory_space<semaphore_mem>>) {add = true}
        %dma_wait3A_39 = arith.constant 0 : i32
        %dma_wait3A_40 = tpu.memref_slice %arg9[%run_scoped3A_31, %dma_wait3A_39] : memref<1x128xi32, #tpu.memory_space<vmem>> -> memref<1x128xi32, #tpu.memory_space<vmem>>
        %dma_wait3A_41 = tpu.memref_squeeze %dma_wait3A_40 : memref<1x128xi32, #tpu.memory_space<vmem>> -> memref<128xi32, #tpu.memory_space<vmem>>
        %dma_wait3A_42 = arith.constant 0 : i32
        %dma_wait3A_43 = arith.constant 0 : i32
        %dma_wait3A_44 = tpu.memref_slice %arg7[%dma_wait3A_42, %dma_wait3A_43] : memref<10240x128xf32, #tpu.memory_space<vmem_shared>> -> memref<10240x128xf32, #tpu.memory_space<vmem_shared>>
        tpu.wait_indirect_dma semaphore(%run_scoped3A_32 : memref<!tpu.dma_semaphore, #tpu.memory_space<semaphore_mem>>) src(%arg10 : memref<128x128xf32, #tpu.memory_space<vmem>>) dst(%dma_wait3A_44 : memref<10240x128xf32, #tpu.memory_space<vmem_shared>>)
        tpu.yield
      }) : () -> ()
    }
    %while3A_21 = arith.constant 1 : i32
    scf.for %while3A_23 = %while3A_19 to %while3A_15 step %while3A_21  : i32 {
      %mul3A_24 = arith.constant 128 : i32
      %mul3A_25 = arith.muli %while3A_23, %mul3A_24 : i32
      %add3A_26 = arith.addi %mul3A_12, %mul3A_25 : i32
      "tpu.region"() ({
        %run_scoped3A_32 = tpu.sem_alloc : memref<!tpu.dma_semaphore, #tpu.memory_space<semaphore_mem>>
        %dma_start3A_33 = tpu.memref_slice %arg3[%add3A_26] : memref<323584xi32, #tpu.memory_space<hbm>> -> memref<128xi32, #tpu.memory_space<hbm>>
        %dma_start3A_34 = tpu.memref_slice %arg3[%add3A_26] : memref<323584xi32, #tpu.memory_space<hbm>> -> memref<128xi32, #tpu.memory_space<hbm>>
        tpu.enqueue_dma source(%dma_start3A_34 : memref<128xi32, #tpu.memory_space<hbm>>) target(%arg8 : memref<128xi32, #tpu.memory_space<vmem>>) target_semaphore(%run_scoped3A_32 : memref<!tpu.dma_semaphore, #tpu.memory_space<semaphore_mem>>)
        %dma_wait3A_35 = tpu.memref_slice %arg3[%add3A_26] : memref<323584xi32, #tpu.memory_space<hbm>> -> memref<128xi32, #tpu.memory_space<hbm>>
        %dma_wait3A_36 = tpu.memref_slice %arg3[%add3A_26] : memref<323584xi32, #tpu.memory_space<hbm>> -> memref<128xi32, #tpu.memory_space<hbm>>
        tpu.wait_dma2 semaphore(%run_scoped3A_32 : memref<!tpu.dma_semaphore, #tpu.memory_space<semaphore_mem>>) src(%dma_wait3A_36 : memref<128xi32, #tpu.memory_space<hbm>>) dst(%arg8 : memref<128xi32, #tpu.memory_space<vmem>>)
        tpu.yield
      }) : () -> ()
      %run_scoped3A = arith.constant 0 : i32
      "tpu.region"() ({
        %run_scoped3A_32 = tpu.sem_alloc : memref<!tpu.dma_semaphore, #tpu.memory_space<semaphore_mem>>
        %dma_start3A_33 = arith.constant 0 : i32
        %dma_start3A_34 = tpu.memref_slice %arg9[%run_scoped3A, %dma_start3A_33] : memref<1x128xi32, #tpu.memory_space<vmem>> -> memref<1x128xi32, #tpu.memory_space<vmem>>
        %dma_start3A_35 = tpu.memref_squeeze %dma_start3A_34 : memref<1x128xi32, #tpu.memory_space<vmem>> -> memref<128xi32, #tpu.memory_space<vmem>>
        %dma_start3A_36 = tpu.memref_slice %arg4[%add3A_26] : memref<323584xi32, #tpu.memory_space<hbm>> -> memref<128xi32, #tpu.memory_space<hbm>>
        %dma_start3A_37 = arith.constant 0 : i32
        %dma_start3A_38 = tpu.memref_slice %arg9[%run_scoped3A, %dma_start3A_37] : memref<1x128xi32, #tpu.memory_space<vmem>> -> memref<1x128xi32, #tpu.memory_space<vmem>>
        %dma_start3A_39 = tpu.memref_squeeze %dma_start3A_38 : memref<1x128xi32, #tpu.memory_space<vmem>> -> memref<128xi32, #tpu.memory_space<vmem>>
        %dma_start3A_40 = tpu.memref_slice %arg4[%add3A_26] : memref<323584xi32, #tpu.memory_space<hbm>> -> memref<128xi32, #tpu.memory_space<hbm>>
        tpu.enqueue_dma source(%dma_start3A_40 : memref<128xi32, #tpu.memory_space<hbm>>) target(%dma_start3A_39 : memref<128xi32, #tpu.memory_space<vmem>>) target_semaphore(%run_scoped3A_32 : memref<!tpu.dma_semaphore, #tpu.memory_space<semaphore_mem>>)
        %dma_wait3A_41 = arith.constant 0 : i32
        %dma_wait3A_42 = tpu.memref_slice %arg9[%run_scoped3A, %dma_wait3A_41] : memref<1x128xi32, #tpu.memory_space<vmem>> -> memref<1x128xi32, #tpu.memory_space<vmem>>
        %dma_wait3A_43 = tpu.memref_squeeze %dma_wait3A_42 : memref<1x128xi32, #tpu.memory_space<vmem>> -> memref<128xi32, #tpu.memory_space<vmem>>
        %dma_wait3A_44 = tpu.memref_slice %arg4[%add3A_26] : memref<323584xi32, #tpu.memory_space<hbm>> -> memref<128xi32, #tpu.memory_space<hbm>>
        %dma_wait3A_45 = arith.constant 0 : i32
        %dma_wait3A_46 = tpu.memref_slice %arg9[%run_scoped3A, %dma_wait3A_45] : memref<1x128xi32, #tpu.memory_space<vmem>> -> memref<1x128xi32, #tpu.memory_space<vmem>>
        %dma_wait3A_47 = tpu.memref_squeeze %dma_wait3A_46 : memref<1x128xi32, #tpu.memory_space<vmem>> -> memref<128xi32, #tpu.memory_space<vmem>>
        %dma_wait3A_48 = tpu.memref_slice %arg4[%add3A_26] : memref<323584xi32, #tpu.memory_space<hbm>> -> memref<128xi32, #tpu.memory_space<hbm>>
        tpu.wait_dma2 semaphore(%run_scoped3A_32 : memref<!tpu.dma_semaphore, #tpu.memory_space<semaphore_mem>>) src(%dma_wait3A_48 : memref<128xi32, #tpu.memory_space<hbm>>) dst(%dma_wait3A_47 : memref<128xi32, #tpu.memory_space<vmem>>)
        tpu.yield
      }) : () -> ()
      %dma_start3A = arith.constant 0 : i32
      %dma_start3A_27 = arith.constant 0 : i32
      %dma_start3A_28 = tpu.memref_slice %arg2[%dma_start3A, %dma_start3A_27] : memref<10240x128xf32, #tpu.memory_space<hbm>> -> memref<10240x128xf32, #tpu.memory_space<hbm>>
      tpu.enqueue_indirect_dma source(%dma_start3A_28 : memref<10240x128xf32, #tpu.memory_space<hbm>>) target(%arg10 : memref<128x128xf32, #tpu.memory_space<vmem>>) offsets(%arg8 : memref<128xi32, #tpu.memory_space<vmem>>) semaphore(%arg11 : memref<!tpu.dma_semaphore, #tpu.memory_space<semaphore_mem>>)
      %dma_wait3A = arith.constant 0 : i32
      %dma_wait3A_29 = arith.constant 0 : i32
      %dma_wait3A_30 = tpu.memref_slice %arg2[%dma_wait3A, %dma_wait3A_29] : memref<10240x128xf32, #tpu.memory_space<hbm>> -> memref<10240x128xf32, #tpu.memory_space<hbm>>
      tpu.wait_indirect_dma semaphore(%arg11 : memref<!tpu.dma_semaphore, #tpu.memory_space<semaphore_mem>>) src(%dma_wait3A_30 : memref<10240x128xf32, #tpu.memory_space<hbm>>) dst(%arg10 : memref<128x128xf32, #tpu.memory_space<vmem>>)
      %run_scoped3A_31 = arith.constant 0 : i32
      "tpu.region"() ({
        %run_scoped3A_32 = tpu.sem_alloc : memref<!tpu.dma_semaphore, #tpu.memory_space<semaphore_mem>>
        %dma_start3A_33 = arith.constant 0 : i32
        %dma_start3A_34 = tpu.memref_slice %arg9[%run_scoped3A_31, %dma_start3A_33] : memref<1x128xi32, #tpu.memory_space<vmem>> -> memref<1x128xi32, #tpu.memory_space<vmem>>
        %dma_start3A_35 = tpu.memref_squeeze %dma_start3A_34 : memref<1x128xi32, #tpu.memory_space<vmem>> -> memref<128xi32, #tpu.memory_space<vmem>>
        %dma_start3A_36 = arith.constant 0 : i32
        %dma_start3A_37 = arith.constant 0 : i32
        %dma_start3A_38 = tpu.memref_slice %arg7[%dma_start3A_36, %dma_start3A_37] : memref<10240x128xf32, #tpu.memory_space<vmem_shared>> -> memref<10240x128xf32, #tpu.memory_space<vmem_shared>>
        tpu.enqueue_indirect_dma source(%arg10 : memref<128x128xf32, #tpu.memory_space<vmem>>) target(%dma_start3A_38 : memref<10240x128xf32, #tpu.memory_space<vmem_shared>>) offsets(%dma_start3A_35 : memref<128xi32, #tpu.memory_space<vmem>>) semaphore(%run_scoped3A_32 : memref<!tpu.dma_semaphore, #tpu.memory_space<semaphore_mem>>) {add = true}
        %dma_wait3A_39 = arith.constant 0 : i32
        %dma_wait3A_40 = tpu.memref_slice %arg9[%run_scoped3A_31, %dma_wait3A_39] : memref<1x128xi32, #tpu.memory_space<vmem>> -> memref<1x128xi32, #tpu.memory_space<vmem>>
        %dma_wait3A_41 = tpu.memref_squeeze %dma_wait3A_40 : memref<1x128xi32, #tpu.memory_space<vmem>> -> memref<128xi32, #tpu.memory_space<vmem>>
        %dma_wait3A_42 = arith.constant 0 : i32
        %dma_wait3A_43 = arith.constant 0 : i32
        %dma_wait3A_44 = tpu.memref_slice %arg7[%dma_wait3A_42, %dma_wait3A_43] : memref<10240x128xf32, #tpu.memory_space<vmem_shared>> -> memref<10240x128xf32, #tpu.memory_space<vmem_shared>>
        tpu.wait_indirect_dma semaphore(%run_scoped3A_32 : memref<!tpu.dma_semaphore, #tpu.memory_space<semaphore_mem>>) src(%arg10 : memref<128x128xf32, #tpu.memory_space<vmem>>) dst(%dma_wait3A_44 : memref<10240x128xf32, #tpu.memory_space<vmem_shared>>)
        tpu.yield
      }) : () -> ()
    }
    %barrier3A_22 = arith.constant 0 : index
    tpu.barrier barrier_id(%barrier3A_22)
    "tpu.region"() ({
      %run_scoped3A = tpu.sem_alloc : memref<!tpu.dma_semaphore, #tpu.memory_space<semaphore_mem>>
      %dma_start3A = arith.constant 0 : i32
      %dma_start3A_23 = tpu.memref_slice %arg6[%arg0, %mul3A_0, %dma_start3A] : memref<2x10240x128xf32, #tpu.memory_space<hbm>> -> memref<1x640x128xf32, #tpu.memory_space<hbm>>
      %dma_start3A_24 = tpu.memref_squeeze %dma_start3A_23 : memref<1x640x128xf32, #tpu.memory_space<hbm>> -> memref<640x128xf32, #tpu.memory_space<hbm>>
      %dma_start3A_25 = arith.constant 0 : i32
      %dma_start3A_26 = tpu.memref_slice %arg7[%mul3A_0, %dma_start3A_25] : memref<10240x128xf32, #tpu.memory_space<vmem_shared>> -> memref<640x128xf32, #tpu.memory_space<vmem_shared>>
      tpu.enqueue_dma source(%dma_start3A_26 : memref<640x128xf32, #tpu.memory_space<vmem_shared>>) target(%dma_start3A_24 : memref<640x128xf32, #tpu.memory_space<hbm>>) target_semaphore(%run_scoped3A : memref<!tpu.dma_semaphore, #tpu.memory_space<semaphore_mem>>)
      %dma_wait3A = arith.constant 0 : i32
      %dma_wait3A_27 = tpu.memref_slice %arg6[%arg0, %mul3A_0, %dma_wait3A] : memref<2x10240x128xf32, #tpu.memory_space<hbm>> -> memref<1x640x128xf32, #tpu.memory_space<hbm>>
      %dma_wait3A_28 = tpu.memref_squeeze %dma_wait3A_27 : memref<1x640x128xf32, #tpu.memory_space<hbm>> -> memref<640x128xf32, #tpu.memory_space<hbm>>
      %dma_wait3A_29 = arith.constant 0 : i32
      %dma_wait3A_30 = tpu.memref_slice %arg7[%mul3A_0, %dma_wait3A_29] : memref<10240x128xf32, #tpu.memory_space<vmem_shared>> -> memref<640x128xf32, #tpu.memory_space<vmem_shared>>
      tpu.wait_dma2 semaphore(%run_scoped3A : memref<!tpu.dma_semaphore, #tpu.memory_space<semaphore_mem>>) src(%dma_wait3A_30 : memref<640x128xf32, #tpu.memory_space<vmem_shared>>) dst(%dma_wait3A_28 : memref<640x128xf32, #tpu.memory_space<hbm>>)
      tpu.yield
    }) : () -> ()
    return
  }
}

#map = affine_map<(d0, d1) -> (0, 0)>
#map1 = affine_map<(d0, d1) -> (0)>
#map2 = affine_map<(d0, d1) -> (0, 0, 0)>
module attributes {stable_mosaic.version = 14 : i64} {
  func.func @_mp_body(%arg0: i32, %arg1: i32, %arg2: memref<10240x128xf32, #tpu.memory_space<hbm>>, %arg3: memref<323584xi32, #tpu.memory_space<hbm>>, %arg4: memref<323584xi32, #tpu.memory_space<hbm>>, %arg5: memref<10240x128xf32, #tpu.memory_space<hbm>>, %arg6: memref<2x10240x128xf32, #tpu.memory_space<hbm>>, %arg7: memref<10240x128xf32, #tpu.memory_space<vmem_shared>>, %arg8: memref<128xi32, #tpu.memory_space<vmem>>, %arg9: memref<1x128xi32, #tpu.memory_space<vmem>>, %arg10: memref<128x128xf32, #tpu.memory_space<vmem>>, %arg11: memref<!tpu.dma_semaphore, #tpu.memory_space<semaphore_mem>>) attributes {dimension_semantics = [#tpu.dimension_semantics<core_parallel>, #tpu.dimension_semantics<subcore_parallel>], iteration_bounds = array<i64: 2, 16>, scalar_prefetch = 0 : i64, scratch_operands = 5 : i64, tpu.core_type = #tpu.core_type<sc_vector_subcore>, window_params = [{transform_indices = #map}, {transform_indices = #map1}, {transform_indices = #map1}, {transform_indices = #map}, {transform_indices = #map2}]} {
    %mul3A = arith.constant 640 : i32
    %mul3A_0 = arith.muli %arg1, %mul3A : i32
    "tpu.region"() ({
      %run_scoped3A = tpu.sem_alloc : memref<!tpu.dma_semaphore, #tpu.memory_space<semaphore_mem>>
      %dma_start3A = arith.constant 0 : i32
      %dma_start3A_23 = tpu.memref_slice %arg7[%mul3A_0, %dma_start3A] : memref<10240x128xf32, #tpu.memory_space<vmem_shared>> -> memref<640x128xf32, #tpu.memory_space<vmem_shared>>
      %dma_start3A_24 = arith.constant 0 : i32
      %dma_start3A_25 = tpu.memref_slice %arg5[%mul3A_0, %dma_start3A_24] : memref<10240x128xf32, #tpu.memory_space<hbm>> -> memref<640x128xf32, #tpu.memory_space<hbm>>
      tpu.enqueue_dma source(%dma_start3A_25 : memref<640x128xf32, #tpu.memory_space<hbm>>) target(%dma_start3A_23 : memref<640x128xf32, #tpu.memory_space<vmem_shared>>) target_semaphore(%run_scoped3A : memref<!tpu.dma_semaphore, #tpu.memory_space<semaphore_mem>>)
      %dma_wait3A = arith.constant 0 : i32
      %dma_wait3A_26 = tpu.memref_slice %arg7[%mul3A_0, %dma_wait3A] : memref<10240x128xf32, #tpu.memory_space<vmem_shared>> -> memref<640x128xf32, #tpu.memory_space<vmem_shared>>
      %dma_wait3A_27 = arith.constant 0 : i32
      %dma_wait3A_28 = tpu.memref_slice %arg5[%mul3A_0, %dma_wait3A_27] : memref<10240x128xf32, #tpu.memory_space<hbm>> -> memref<640x128xf32, #tpu.memory_space<hbm>>
      tpu.wait_dma2 semaphore(%run_scoped3A : memref<!tpu.dma_semaphore, #tpu.memory_space<semaphore_mem>>) src(%dma_wait3A_28 : memref<640x128xf32, #tpu.memory_space<hbm>>) dst(%dma_wait3A_26 : memref<640x128xf32, #tpu.memory_space<vmem_shared>>)
      tpu.yield
    }) : () -> ()
    %barrier3A = arith.constant 0 : index
    tpu.barrier barrier_id(%barrier3A)
    %eq3A = arith.constant 0 : i32
    %eq3A_1 = arith.cmpi eq, %arg0, %eq3A : i32
    %jit3A = arith.constant 98 : i32
    %jit3A_2 = arith.constant 60 : i32
    %select_n3A = arith.select %eq3A_1, %jit3A, %jit3A_2 : i32
    %eq3A_3 = arith.constant 0 : i32
    %eq3A_4 = arith.cmpi eq, %arg0, %eq3A_3 : i32
    %mul3A_5 = arith.constant 98 : i32
    %mul3A_6 = arith.muli %arg1, %mul3A_5 : i32
    %mul3A_7 = arith.constant 60 : i32
    %mul3A_8 = arith.muli %arg1, %mul3A_7 : i32
    %add3A = arith.constant 1568 : i32
    %add3A_9 = arith.addi %add3A, %mul3A_8 : i32
    %select_n3A_10 = arith.select %eq3A_4, %mul3A_6, %add3A_9 : i32
    %mul3A_11 = arith.constant 128 : i32
    %mul3A_12 = arith.muli %select_n3A_10, %mul3A_11 : i32
    %while3A = arith.constant 0 : i32
    %while3A_13 = arith.constant 0 : i32
    %while3A_14 = arith.subi %select_n3A, %while3A_13 : i32
    %while3A_15 = arith.addi %while3A_13, %while3A_14 : i32
    %while3A_16 = arith.constant 1 : i32
    %while3A_17 = arith.divsi %while3A_14, %while3A_16 : i32
    %while3A_18 = arith.muli %while3A_17, %while3A_16 : i32
    %while3A_19 = arith.addi %while3A_13, %while3A_18 : i32
    %while3A_20 = arith.constant 1 : i32
    scf.for %while3A_23 = %while3A_13 to %while3A_19 step %while3A_20  : i32 {
      %mul3A_24 = arith.constant 128 : i32
      %mul3A_25 = arith.muli %while3A_23, %mul3A_24 : i32
      %add3A_26 = arith.addi %mul3A_12, %mul3A_25 : i32
      "tpu.region"() ({
        %run_scoped3A_32 = tpu.sem_alloc : memref<!tpu.dma_semaphore, #tpu.memory_space<semaphore_mem>>
        %dma_start3A_33 = tpu.memref_slice %arg3[%add3A_26] : memref<323584xi32, #tpu.memory_space<hbm>> -> memref<128xi32, #tpu.memory_space<hbm>>
        %dma_start3A_34 = tpu.memref_slice %arg3[%add3A_26] : memref<323584xi32, #tpu.memory_space<hbm>> -> memref<128xi32, #tpu.memory_space<hbm>>
        tpu.enqueue_dma source(%dma_start3A_34 : memref<128xi32, #tpu.memory_space<hbm>>) target(%arg8 : memref<128xi32, #tpu.memory_space<vmem>>) target_semaphore(%run_scoped3A_32 : memref<!tpu.dma_semaphore, #tpu.memory_space<semaphore_mem>>)
        %dma_wait3A_35 = tpu.memref_slice %arg3[%add3A_26] : memref<323584xi32, #tpu.memory_space<hbm>> -> memref<128xi32, #tpu.memory_space<hbm>>
        %dma_wait3A_36 = tpu.memref_slice %arg3[%add3A_26] : memref<323584xi32, #tpu.memory_space<hbm>> -> memref<128xi32, #tpu.memory_space<hbm>>
        tpu.wait_dma2 semaphore(%run_scoped3A_32 : memref<!tpu.dma_semaphore, #tpu.memory_space<semaphore_mem>>) src(%dma_wait3A_36 : memref<128xi32, #tpu.memory_space<hbm>>) dst(%arg8 : memref<128xi32, #tpu.memory_space<vmem>>)
        tpu.yield
      }) : () -> ()
      %run_scoped3A = arith.constant 0 : i32
      "tpu.region"() ({
        %run_scoped3A_32 = tpu.sem_alloc : memref<!tpu.dma_semaphore, #tpu.memory_space<semaphore_mem>>
        %dma_start3A_33 = arith.constant 0 : i32
        %dma_start3A_34 = tpu.memref_slice %arg9[%run_scoped3A, %dma_start3A_33] : memref<1x128xi32, #tpu.memory_space<vmem>> -> memref<1x128xi32, #tpu.memory_space<vmem>>
        %dma_start3A_35 = tpu.memref_squeeze %dma_start3A_34 : memref<1x128xi32, #tpu.memory_space<vmem>> -> memref<128xi32, #tpu.memory_space<vmem>>
        %dma_start3A_36 = tpu.memref_slice %arg4[%add3A_26] : memref<323584xi32, #tpu.memory_space<hbm>> -> memref<128xi32, #tpu.memory_space<hbm>>
        %dma_start3A_37 = arith.constant 0 : i32
        %dma_start3A_38 = tpu.memref_slice %arg9[%run_scoped3A, %dma_start3A_37] : memref<1x128xi32, #tpu.memory_space<vmem>> -> memref<1x128xi32, #tpu.memory_space<vmem>>
        %dma_start3A_39 = tpu.memref_squeeze %dma_start3A_38 : memref<1x128xi32, #tpu.memory_space<vmem>> -> memref<128xi32, #tpu.memory_space<vmem>>
        %dma_start3A_40 = tpu.memref_slice %arg4[%add3A_26] : memref<323584xi32, #tpu.memory_space<hbm>> -> memref<128xi32, #tpu.memory_space<hbm>>
        tpu.enqueue_dma source(%dma_start3A_40 : memref<128xi32, #tpu.memory_space<hbm>>) target(%dma_start3A_39 : memref<128xi32, #tpu.memory_space<vmem>>) target_semaphore(%run_scoped3A_32 : memref<!tpu.dma_semaphore, #tpu.memory_space<semaphore_mem>>)
        %dma_wait3A_41 = arith.constant 0 : i32
        %dma_wait3A_42 = tpu.memref_slice %arg9[%run_scoped3A, %dma_wait3A_41] : memref<1x128xi32, #tpu.memory_space<vmem>> -> memref<1x128xi32, #tpu.memory_space<vmem>>
        %dma_wait3A_43 = tpu.memref_squeeze %dma_wait3A_42 : memref<1x128xi32, #tpu.memory_space<vmem>> -> memref<128xi32, #tpu.memory_space<vmem>>
        %dma_wait3A_44 = tpu.memref_slice %arg4[%add3A_26] : memref<323584xi32, #tpu.memory_space<hbm>> -> memref<128xi32, #tpu.memory_space<hbm>>
        %dma_wait3A_45 = arith.constant 0 : i32
        %dma_wait3A_46 = tpu.memref_slice %arg9[%run_scoped3A, %dma_wait3A_45] : memref<1x128xi32, #tpu.memory_space<vmem>> -> memref<1x128xi32, #tpu.memory_space<vmem>>
        %dma_wait3A_47 = tpu.memref_squeeze %dma_wait3A_46 : memref<1x128xi32, #tpu.memory_space<vmem>> -> memref<128xi32, #tpu.memory_space<vmem>>
        %dma_wait3A_48 = tpu.memref_slice %arg4[%add3A_26] : memref<323584xi32, #tpu.memory_space<hbm>> -> memref<128xi32, #tpu.memory_space<hbm>>
        tpu.wait_dma2 semaphore(%run_scoped3A_32 : memref<!tpu.dma_semaphore, #tpu.memory_space<semaphore_mem>>) src(%dma_wait3A_48 : memref<128xi32, #tpu.memory_space<hbm>>) dst(%dma_wait3A_47 : memref<128xi32, #tpu.memory_space<vmem>>)
        tpu.yield
      }) : () -> ()
      %dma_start3A = arith.constant 0 : i32
      %dma_start3A_27 = arith.constant 0 : i32
      %dma_start3A_28 = tpu.memref_slice %arg2[%dma_start3A, %dma_start3A_27] : memref<10240x128xf32, #tpu.memory_space<hbm>> -> memref<10240x128xf32, #tpu.memory_space<hbm>>
      tpu.enqueue_indirect_dma source(%dma_start3A_28 : memref<10240x128xf32, #tpu.memory_space<hbm>>) target(%arg10 : memref<128x128xf32, #tpu.memory_space<vmem>>) offsets(%arg8 : memref<128xi32, #tpu.memory_space<vmem>>) semaphore(%arg11 : memref<!tpu.dma_semaphore, #tpu.memory_space<semaphore_mem>>)
      %dma_wait3A = arith.constant 0 : i32
      %dma_wait3A_29 = arith.constant 0 : i32
      %dma_wait3A_30 = tpu.memref_slice %arg2[%dma_wait3A, %dma_wait3A_29] : memref<10240x128xf32, #tpu.memory_space<hbm>> -> memref<10240x128xf32, #tpu.memory_space<hbm>>
      tpu.wait_indirect_dma semaphore(%arg11 : memref<!tpu.dma_semaphore, #tpu.memory_space<semaphore_mem>>) src(%dma_wait3A_30 : memref<10240x128xf32, #tpu.memory_space<hbm>>) dst(%arg10 : memref<128x128xf32, #tpu.memory_space<vmem>>)
      %run_scoped3A_31 = arith.constant 0 : i32
      "tpu.region"() ({
        %run_scoped3A_32 = tpu.sem_alloc : memref<!tpu.dma_semaphore, #tpu.memory_space<semaphore_mem>>
        %dma_start3A_33 = arith.constant 0 : i32
        %dma_start3A_34 = tpu.memref_slice %arg9[%run_scoped3A_31, %dma_start3A_33] : memref<1x128xi32, #tpu.memory_space<vmem>> -> memref<1x128xi32, #tpu.memory_space<vmem>>
        %dma_start3A_35 = tpu.memref_squeeze %dma_start3A_34 : memref<1x128xi32, #tpu.memory_space<vmem>> -> memref<128xi32, #tpu.memory_space<vmem>>
        %dma_start3A_36 = arith.constant 0 : i32
        %dma_start3A_37 = arith.constant 0 : i32
        %dma_start3A_38 = tpu.memref_slice %arg7[%dma_start3A_36, %dma_start3A_37] : memref<10240x128xf32, #tpu.memory_space<vmem_shared>> -> memref<10240x128xf32, #tpu.memory_space<vmem_shared>>
        tpu.enqueue_indirect_dma source(%arg10 : memref<128x128xf32, #tpu.memory_space<vmem>>) target(%dma_start3A_38 : memref<10240x128xf32, #tpu.memory_space<vmem_shared>>) offsets(%dma_start3A_35 : memref<128xi32, #tpu.memory_space<vmem>>) semaphore(%run_scoped3A_32 : memref<!tpu.dma_semaphore, #tpu.memory_space<semaphore_mem>>) {add = true}
        %dma_wait3A_39 = arith.constant 0 : i32
        %dma_wait3A_40 = tpu.memref_slice %arg9[%run_scoped3A_31, %dma_wait3A_39] : memref<1x128xi32, #tpu.memory_space<vmem>> -> memref<1x128xi32, #tpu.memory_space<vmem>>
        %dma_wait3A_41 = tpu.memref_squeeze %dma_wait3A_40 : memref<1x128xi32, #tpu.memory_space<vmem>> -> memref<128xi32, #tpu.memory_space<vmem>>
        %dma_wait3A_42 = arith.constant 0 : i32
        %dma_wait3A_43 = arith.constant 0 : i32
        %dma_wait3A_44 = tpu.memref_slice %arg7[%dma_wait3A_42, %dma_wait3A_43] : memref<10240x128xf32, #tpu.memory_space<vmem_shared>> -> memref<10240x128xf32, #tpu.memory_space<vmem_shared>>
        tpu.wait_indirect_dma semaphore(%run_scoped3A_32 : memref<!tpu.dma_semaphore, #tpu.memory_space<semaphore_mem>>) src(%arg10 : memref<128x128xf32, #tpu.memory_space<vmem>>) dst(%dma_wait3A_44 : memref<10240x128xf32, #tpu.memory_space<vmem_shared>>)
        tpu.yield
      }) : () -> ()
    }
    %while3A_21 = arith.constant 1 : i32
    scf.for %while3A_23 = %while3A_19 to %while3A_15 step %while3A_21  : i32 {
      %mul3A_24 = arith.constant 128 : i32
      %mul3A_25 = arith.muli %while3A_23, %mul3A_24 : i32
      %add3A_26 = arith.addi %mul3A_12, %mul3A_25 : i32
      "tpu.region"() ({
        %run_scoped3A_32 = tpu.sem_alloc : memref<!tpu.dma_semaphore, #tpu.memory_space<semaphore_mem>>
        %dma_start3A_33 = tpu.memref_slice %arg3[%add3A_26] : memref<323584xi32, #tpu.memory_space<hbm>> -> memref<128xi32, #tpu.memory_space<hbm>>
        %dma_start3A_34 = tpu.memref_slice %arg3[%add3A_26] : memref<323584xi32, #tpu.memory_space<hbm>> -> memref<128xi32, #tpu.memory_space<hbm>>
        tpu.enqueue_dma source(%dma_start3A_34 : memref<128xi32, #tpu.memory_space<hbm>>) target(%arg8 : memref<128xi32, #tpu.memory_space<vmem>>) target_semaphore(%run_scoped3A_32 : memref<!tpu.dma_semaphore, #tpu.memory_space<semaphore_mem>>)
        %dma_wait3A_35 = tpu.memref_slice %arg3[%add3A_26] : memref<323584xi32, #tpu.memory_space<hbm>> -> memref<128xi32, #tpu.memory_space<hbm>>
        %dma_wait3A_36 = tpu.memref_slice %arg3[%add3A_26] : memref<323584xi32, #tpu.memory_space<hbm>> -> memref<128xi32, #tpu.memory_space<hbm>>
        tpu.wait_dma2 semaphore(%run_scoped3A_32 : memref<!tpu.dma_semaphore, #tpu.memory_space<semaphore_mem>>) src(%dma_wait3A_36 : memref<128xi32, #tpu.memory_space<hbm>>) dst(%arg8 : memref<128xi32, #tpu.memory_space<vmem>>)
        tpu.yield
      }) : () -> ()
      %run_scoped3A = arith.constant 0 : i32
      "tpu.region"() ({
        %run_scoped3A_32 = tpu.sem_alloc : memref<!tpu.dma_semaphore, #tpu.memory_space<semaphore_mem>>
        %dma_start3A_33 = arith.constant 0 : i32
        %dma_start3A_34 = tpu.memref_slice %arg9[%run_scoped3A, %dma_start3A_33] : memref<1x128xi32, #tpu.memory_space<vmem>> -> memref<1x128xi32, #tpu.memory_space<vmem>>
        %dma_start3A_35 = tpu.memref_squeeze %dma_start3A_34 : memref<1x128xi32, #tpu.memory_space<vmem>> -> memref<128xi32, #tpu.memory_space<vmem>>
        %dma_start3A_36 = tpu.memref_slice %arg4[%add3A_26] : memref<323584xi32, #tpu.memory_space<hbm>> -> memref<128xi32, #tpu.memory_space<hbm>>
        %dma_start3A_37 = arith.constant 0 : i32
        %dma_start3A_38 = tpu.memref_slice %arg9[%run_scoped3A, %dma_start3A_37] : memref<1x128xi32, #tpu.memory_space<vmem>> -> memref<1x128xi32, #tpu.memory_space<vmem>>
        %dma_start3A_39 = tpu.memref_squeeze %dma_start3A_38 : memref<1x128xi32, #tpu.memory_space<vmem>> -> memref<128xi32, #tpu.memory_space<vmem>>
        %dma_start3A_40 = tpu.memref_slice %arg4[%add3A_26] : memref<323584xi32, #tpu.memory_space<hbm>> -> memref<128xi32, #tpu.memory_space<hbm>>
        tpu.enqueue_dma source(%dma_start3A_40 : memref<128xi32, #tpu.memory_space<hbm>>) target(%dma_start3A_39 : memref<128xi32, #tpu.memory_space<vmem>>) target_semaphore(%run_scoped3A_32 : memref<!tpu.dma_semaphore, #tpu.memory_space<semaphore_mem>>)
        %dma_wait3A_41 = arith.constant 0 : i32
        %dma_wait3A_42 = tpu.memref_slice %arg9[%run_scoped3A, %dma_wait3A_41] : memref<1x128xi32, #tpu.memory_space<vmem>> -> memref<1x128xi32, #tpu.memory_space<vmem>>
        %dma_wait3A_43 = tpu.memref_squeeze %dma_wait3A_42 : memref<1x128xi32, #tpu.memory_space<vmem>> -> memref<128xi32, #tpu.memory_space<vmem>>
        %dma_wait3A_44 = tpu.memref_slice %arg4[%add3A_26] : memref<323584xi32, #tpu.memory_space<hbm>> -> memref<128xi32, #tpu.memory_space<hbm>>
        %dma_wait3A_45 = arith.constant 0 : i32
        %dma_wait3A_46 = tpu.memref_slice %arg9[%run_scoped3A, %dma_wait3A_45] : memref<1x128xi32, #tpu.memory_space<vmem>> -> memref<1x128xi32, #tpu.memory_space<vmem>>
        %dma_wait3A_47 = tpu.memref_squeeze %dma_wait3A_46 : memref<1x128xi32, #tpu.memory_space<vmem>> -> memref<128xi32, #tpu.memory_space<vmem>>
        %dma_wait3A_48 = tpu.memref_slice %arg4[%add3A_26] : memref<323584xi32, #tpu.memory_space<hbm>> -> memref<128xi32, #tpu.memory_space<hbm>>
        tpu.wait_dma2 semaphore(%run_scoped3A_32 : memref<!tpu.dma_semaphore, #tpu.memory_space<semaphore_mem>>) src(%dma_wait3A_48 : memref<128xi32, #tpu.memory_space<hbm>>) dst(%dma_wait3A_47 : memref<128xi32, #tpu.memory_space<vmem>>)
        tpu.yield
      }) : () -> ()
      %dma_start3A = arith.constant 0 : i32
      %dma_start3A_27 = arith.constant 0 : i32
      %dma_start3A_28 = tpu.memref_slice %arg2[%dma_start3A, %dma_start3A_27] : memref<10240x128xf32, #tpu.memory_space<hbm>> -> memref<10240x128xf32, #tpu.memory_space<hbm>>
      tpu.enqueue_indirect_dma source(%dma_start3A_28 : memref<10240x128xf32, #tpu.memory_space<hbm>>) target(%arg10 : memref<128x128xf32, #tpu.memory_space<vmem>>) offsets(%arg8 : memref<128xi32, #tpu.memory_space<vmem>>) semaphore(%arg11 : memref<!tpu.dma_semaphore, #tpu.memory_space<semaphore_mem>>)
      %dma_wait3A = arith.constant 0 : i32
      %dma_wait3A_29 = arith.constant 0 : i32
      %dma_wait3A_30 = tpu.memref_slice %arg2[%dma_wait3A, %dma_wait3A_29] : memref<10240x128xf32, #tpu.memory_space<hbm>> -> memref<10240x128xf32, #tpu.memory_space<hbm>>
      tpu.wait_indirect_dma semaphore(%arg11 : memref<!tpu.dma_semaphore, #tpu.memory_space<semaphore_mem>>) src(%dma_wait3A_30 : memref<10240x128xf32, #tpu.memory_space<hbm>>) dst(%arg10 : memref<128x128xf32, #tpu.memory_space<vmem>>)
      %run_scoped3A_31 = arith.constant 0 : i32
      "tpu.region"() ({
        %run_scoped3A_32 = tpu.sem_alloc : memref<!tpu.dma_semaphore, #tpu.memory_space<semaphore_mem>>
        %dma_start3A_33 = arith.constant 0 : i32
        %dma_start3A_34 = tpu.memref_slice %arg9[%run_scoped3A_31, %dma_start3A_33] : memref<1x128xi32, #tpu.memory_space<vmem>> -> memref<1x128xi32, #tpu.memory_space<vmem>>
        %dma_start3A_35 = tpu.memref_squeeze %dma_start3A_34 : memref<1x128xi32, #tpu.memory_space<vmem>> -> memref<128xi32, #tpu.memory_space<vmem>>
        %dma_start3A_36 = arith.constant 0 : i32
        %dma_start3A_37 = arith.constant 0 : i32
        %dma_start3A_38 = tpu.memref_slice %arg7[%dma_start3A_36, %dma_start3A_37] : memref<10240x128xf32, #tpu.memory_space<vmem_shared>> -> memref<10240x128xf32, #tpu.memory_space<vmem_shared>>
        tpu.enqueue_indirect_dma source(%arg10 : memref<128x128xf32, #tpu.memory_space<vmem>>) target(%dma_start3A_38 : memref<10240x128xf32, #tpu.memory_space<vmem_shared>>) offsets(%dma_start3A_35 : memref<128xi32, #tpu.memory_space<vmem>>) semaphore(%run_scoped3A_32 : memref<!tpu.dma_semaphore, #tpu.memory_space<semaphore_mem>>) {add = true}
        %dma_wait3A_39 = arith.constant 0 : i32
        %dma_wait3A_40 = tpu.memref_slice %arg9[%run_scoped3A_31, %dma_wait3A_39] : memref<1x128xi32, #tpu.memory_space<vmem>> -> memref<1x128xi32, #tpu.memory_space<vmem>>
        %dma_wait3A_41 = tpu.memref_squeeze %dma_wait3A_40 : memref<1x128xi32, #tpu.memory_space<vmem>> -> memref<128xi32, #tpu.memory_space<vmem>>
        %dma_wait3A_42 = arith.constant 0 : i32
        %dma_wait3A_43 = arith.constant 0 : i32
        %dma_wait3A_44 = tpu.memref_slice %arg7[%dma_wait3A_42, %dma_wait3A_43] : memref<10240x128xf32, #tpu.memory_space<vmem_shared>> -> memref<10240x128xf32, #tpu.memory_space<vmem_shared>>
        tpu.wait_indirect_dma semaphore(%run_scoped3A_32 : memref<!tpu.dma_semaphore, #tpu.memory_space<semaphore_mem>>) src(%arg10 : memref<128x128xf32, #tpu.memory_space<vmem>>) dst(%dma_wait3A_44 : memref<10240x128xf32, #tpu.memory_space<vmem_shared>>)
        tpu.yield
      }) : () -> ()
    }
    %barrier3A_22 = arith.constant 0 : index
    tpu.barrier barrier_id(%barrier3A_22)
    "tpu.region"() ({
      %run_scoped3A = tpu.sem_alloc : memref<!tpu.dma_semaphore, #tpu.memory_space<semaphore_mem>>
      %dma_start3A = arith.constant 0 : i32
      %dma_start3A_23 = tpu.memref_slice %arg6[%arg0, %mul3A_0, %dma_start3A] : memref<2x10240x128xf32, #tpu.memory_space<hbm>> -> memref<1x640x128xf32, #tpu.memory_space<hbm>>
      %dma_start3A_24 = tpu.memref_squeeze %dma_start3A_23 : memref<1x640x128xf32, #tpu.memory_space<hbm>> -> memref<640x128xf32, #tpu.memory_space<hbm>>
      %dma_start3A_25 = arith.constant 0 : i32
      %dma_start3A_26 = tpu.memref_slice %arg7[%mul3A_0, %dma_start3A_25] : memref<10240x128xf32, #tpu.memory_space<vmem_shared>> -> memref<640x128xf32, #tpu.memory_space<vmem_shared>>
      tpu.enqueue_dma source(%dma_start3A_26 : memref<640x128xf32, #tpu.memory_space<vmem_shared>>) target(%dma_start3A_24 : memref<640x128xf32, #tpu.memory_space<hbm>>) target_semaphore(%run_scoped3A : memref<!tpu.dma_semaphore, #tpu.memory_space<semaphore_mem>>)
      %dma_wait3A = arith.constant 0 : i32
      %dma_wait3A_27 = tpu.memref_slice %arg6[%arg0, %mul3A_0, %dma_wait3A] : memref<2x10240x128xf32, #tpu.memory_space<hbm>> -> memref<1x640x128xf32, #tpu.memory_space<hbm>>
      %dma_wait3A_28 = tpu.memref_squeeze %dma_wait3A_27 : memref<1x640x128xf32, #tpu.memory_space<hbm>> -> memref<640x128xf32, #tpu.memory_space<hbm>>
      %dma_wait3A_29 = arith.constant 0 : i32
      %dma_wait3A_30 = tpu.memref_slice %arg7[%mul3A_0, %dma_wait3A_29] : memref<10240x128xf32, #tpu.memory_space<vmem_shared>> -> memref<640x128xf32, #tpu.memory_space<vmem_shared>>
      tpu.wait_dma2 semaphore(%run_scoped3A : memref<!tpu.dma_semaphore, #tpu.memory_space<semaphore_mem>>) src(%dma_wait3A_30 : memref<640x128xf32, #tpu.memory_space<vmem_shared>>) dst(%dma_wait3A_28 : memref<640x128xf32, #tpu.memory_space<hbm>>)
      tpu.yield
    }) : () -> ()
    return
  }
}

module attributes {stable_mosaic.version = 14 : i64} {
  func.func @_stage2_body(%arg0: i32, %arg1: memref<512x140xf32, #tpu.memory_space<vmem>>, %arg2: memref<140x128xf32, #tpu.memory_space<vmem>>, %arg3: memref<2x512x1xf32, #tpu.memory_space<vmem>>, %arg4: memref<512x128xf32, #tpu.memory_space<vmem>>) attributes {dimension_semantics = [#tpu.dimension_semantics<arbitrary>], iteration_bounds = array<i64: 20>, scalar_prefetch = 0 : i64, scratch_operands = 0 : i64, tpu.core_type = #tpu.core_type<tc>, window_params = [{transform_indices = @transform_0, window_bounds = array<i64: 512, 140>}, {pipeline_mode = #tpu.pipeline_mode<synchronous>, transform_indices = @transform_1, window_bounds = array<i64: 140, 128>}, {transform_indices = @transform_2, window_bounds = array<i64: 2, 512, 1>}, {transform_indices = @transform_3, window_bounds = array<i64: 512, 128>}]} {
    %get3A = arith.constant 0 : index
    %get3A_0 = arith.constant 0 : index
    %get3A_1 = arith.constant 0 : index
    %get3A_2 = vector.load %arg3[%get3A, %get3A_0, %get3A_1] : memref<2x512x1xf32, #tpu.memory_space<vmem>>, vector<1x512x1xf32>
    %get3A_3 = vector.shape_cast %get3A_2 : vector<1x512x1xf32> to vector<512x1xf32>
    %get3A_4 = arith.constant 1 : index
    %get3A_5 = arith.constant 0 : index
    %get3A_6 = arith.constant 0 : index
    %get3A_7 = vector.load %arg3[%get3A_4, %get3A_5, %get3A_6] : memref<2x512x1xf32, #tpu.memory_space<vmem>>, vector<1x512x1xf32>
    %get3A_8 = vector.shape_cast %get3A_7 : vector<1x512x1xf32> to vector<512x1xf32>
    %add3A = arith.addf %get3A_3, %get3A_8 : vector<512x1xf32>
    %add3A_9 = arith.constant 1.000000e+00 : f32
    %add3A_10 = vector.broadcast %add3A_9 : f32 to vector<512x1xf32>
    %add3A_11 = arith.addf %add3A, %add3A_10 : vector<512x1xf32>
    %rsqrt3A = math.rsqrt %add3A_11 : vector<512x1xf32>
    %get3A_12 = arith.constant 0 : index
    %get3A_13 = arith.constant 0 : index
    %get3A_14 = vector.load %arg1[%get3A_12, %get3A_13] : memref<512x140xf32, #tpu.memory_space<vmem>>, vector<512x140xf32>
    %get3A_15 = arith.constant 0 : index
    %get3A_16 = arith.constant 0 : index
    %get3A_17 = vector.load %arg2[%get3A_15, %get3A_16] : memref<140x128xf32, #tpu.memory_space<vmem>>, vector<140x128xf32>
    %dot_general3A = arith.constant dense<0.000000e+00> : vector<512x128xf32>
    %dot_general3A_18 = tpu.matmul %get3A_14, %get3A_17, %dot_general3A {dimension_numbers = #tpu.dot_dimension_numbers<[1], [0], [0], [1], [0, 0, 1, 1], [], []>, transpose_lhs_hint = false} : vector<512x140xf32>, vector<140x128xf32>, vector<512x128xf32> -> vector<512x128xf32>
    %mul3A = vector.broadcast %rsqrt3A : vector<512x1xf32> to vector<512x128xf32>
    %mul3A_19 = arith.mulf %dot_general3A_18, %mul3A : vector<512x128xf32>
    %swap3A = arith.constant 0 : index
    %swap3A_20 = arith.constant 0 : index
    %swap3A_21 = vector.load %arg4[%swap3A, %swap3A_20] : memref<512x128xf32, #tpu.memory_space<vmem>>, vector<512x128xf32>
    tpu.vector_store %arg4[%swap3A, %swap3A_20], %mul3A_19 {strides = array<i32>} : memref<512x128xf32, #tpu.memory_space<vmem>>, vector<512x128xf32>,
    return
  }
  func.func @transform_0(%arg0: i32) -> (i32, i32) {
    %c0_i32 = arith.constant 0 : i32
    %c0_i32_0 = arith.constant 0 : i32
    return %arg0, %c0_i32 : i32, i32
  }
  func.func @transform_1(%arg0: i32) -> (i32, i32) {
    %c0_i32 = arith.constant 0 : i32
    %c0_i32_0 = arith.constant 0 : i32
    %c0_i32_1 = arith.constant 0 : i32
    return %c0_i32, %c0_i32_0 : i32, i32
  }
  func.func @transform_2(%arg0: i32) -> (i32, i32, i32) {
    %c0_i32 = arith.constant 0 : i32
    %c0_i32_0 = arith.constant 0 : i32
    %c0_i32_1 = arith.constant 0 : i32
    return %c0_i32, %arg0, %c0_i32_0 : i32, i32, i32
  }
  func.func @transform_3(%arg0: i32) -> (i32, i32) {
    %c0_i32 = arith.constant 0 : i32
    %c0_i32_0 = arith.constant 0 : i32
    return %arg0, %c0_i32 : i32, i32
  }
}

module attributes {stable_mosaic.version = 14 : i64} {
  func.func @_stage4_body(%arg0: i32, %arg1: memref<2x512x128xf32, #tpu.memory_space<vmem>>, %arg2: memref<512x128xf32, #tpu.memory_space<vmem>>, %arg3: memref<2x512x1xf32, #tpu.memory_space<vmem>>, %arg4: memref<1x128xf32, #tpu.memory_space<vmem>>, %arg5: memref<128x128xf32, #tpu.memory_space<vmem>>, %arg6: memref<512x128xf32, #tpu.memory_space<vmem>>, %arg7: memref<512x128xf32, #tpu.memory_space<vmem>>) attributes {dimension_semantics = [#tpu.dimension_semantics<arbitrary>], iteration_bounds = array<i64: 20>, scalar_prefetch = 0 : i64, scratch_operands = 0 : i64, tpu.core_type = #tpu.core_type<tc>, window_params = [{transform_indices = @transform_0, window_bounds = array<i64: 2, 512, 128>}, {transform_indices = @transform_1, window_bounds = array<i64: 512, 128>}, {transform_indices = @transform_2, window_bounds = array<i64: 2, 512, 1>}, {pipeline_mode = #tpu.pipeline_mode<synchronous>, transform_indices = @transform_3, window_bounds = array<i64: 1, 128>}, {pipeline_mode = #tpu.pipeline_mode<synchronous>, transform_indices = @transform_4, window_bounds = array<i64: 128, 128>}, {transform_indices = @transform_5, window_bounds = array<i64: 512, 128>}, {transform_indices = @transform_6, window_bounds = array<i64: 512, 128>}]} {
    %get3A = arith.constant 0 : index
    %get3A_0 = arith.constant 0 : index
    %get3A_1 = arith.constant 0 : index
    %get3A_2 = vector.load %arg3[%get3A, %get3A_0, %get3A_1] : memref<2x512x1xf32, #tpu.memory_space<vmem>>, vector<1x512x1xf32>
    %get3A_3 = vector.shape_cast %get3A_2 : vector<1x512x1xf32> to vector<512x1xf32>
    %get3A_4 = arith.constant 1 : index
    %get3A_5 = arith.constant 0 : index
    %get3A_6 = arith.constant 0 : index
    %get3A_7 = vector.load %arg3[%get3A_4, %get3A_5, %get3A_6] : memref<2x512x1xf32, #tpu.memory_space<vmem>>, vector<1x512x1xf32>
    %get3A_8 = vector.shape_cast %get3A_7 : vector<1x512x1xf32> to vector<512x1xf32>
    %add3A = arith.addf %get3A_3, %get3A_8 : vector<512x1xf32>
    %add3A_9 = arith.constant 1.000000e+00 : f32
    %add3A_10 = vector.broadcast %add3A_9 : f32 to vector<512x1xf32>
    %add3A_11 = arith.addf %add3A, %add3A_10 : vector<512x1xf32>
    %rsqrt3A = math.rsqrt %add3A_11 : vector<512x1xf32>
    %get3A_12 = arith.constant 0 : index
    %get3A_13 = arith.constant 0 : index
    %get3A_14 = arith.constant 0 : index
    %get3A_15 = vector.load %arg1[%get3A_12, %get3A_13, %get3A_14] : memref<2x512x128xf32, #tpu.memory_space<vmem>>, vector<1x512x128xf32>
    %get3A_16 = vector.shape_cast %get3A_15 : vector<1x512x128xf32> to vector<512x128xf32>
    %get3A_17 = arith.constant 1 : index
    %get3A_18 = arith.constant 0 : index
    %get3A_19 = arith.constant 0 : index
    %get3A_20 = vector.load %arg1[%get3A_17, %get3A_18, %get3A_19] : memref<2x512x128xf32, #tpu.memory_space<vmem>>, vector<1x512x128xf32>
    %get3A_21 = vector.shape_cast %get3A_20 : vector<1x512x128xf32> to vector<512x128xf32>
    %add3A_22 = arith.addf %get3A_16, %get3A_21 : vector<512x128xf32>
    %get3A_23 = arith.constant 0 : index
    %get3A_24 = arith.constant 0 : index
    %get3A_25 = vector.load %arg2[%get3A_23, %get3A_24] : memref<512x128xf32, #tpu.memory_space<vmem>>, vector<512x128xf32>
    %add3A_26 = arith.addf %add3A_22, %get3A_25 : vector<512x128xf32>
    %mul3A = vector.broadcast %rsqrt3A : vector<512x1xf32> to vector<512x128xf32>
    %mul3A_27 = arith.mulf %mul3A, %add3A_26 : vector<512x128xf32>
    %get3A_28 = arith.constant 0 : index
    %get3A_29 = arith.constant 0 : index
    %get3A_30 = vector.load %arg4[%get3A_28, %get3A_29] : memref<1x128xf32, #tpu.memory_space<vmem>>, vector<1x128xf32>
    %add3A_31 = vector.broadcast %get3A_30 : vector<1x128xf32> to vector<512x128xf32>
    %add3A_32 = arith.addf %mul3A_27, %add3A_31 : vector<512x128xf32>
    %tanh3A = math.tanh %add3A_32 : vector<512x128xf32>
    %swap3A = arith.constant 0 : index
    %swap3A_33 = arith.constant 0 : index
    %swap3A_34 = vector.load %arg6[%swap3A, %swap3A_33] : memref<512x128xf32, #tpu.memory_space<vmem>>, vector<512x128xf32>
    tpu.vector_store %arg6[%swap3A, %swap3A_33], %tanh3A {strides = array<i32>} : memref<512x128xf32, #tpu.memory_space<vmem>>, vector<512x128xf32>,
    %get3A_35 = arith.constant 0 : index
    %get3A_36 = arith.constant 0 : index
    %get3A_37 = vector.load %arg5[%get3A_35, %get3A_36] : memref<128x128xf32, #tpu.memory_space<vmem>>, vector<128x128xf32>
    %dot_general3A = arith.constant dense<0.000000e+00> : vector<512x128xf32>
    %dot_general3A_38 = tpu.matmul %tanh3A, %get3A_37, %dot_general3A {dimension_numbers = #tpu.dot_dimension_numbers<[1], [0], [0], [1], [0, 0, 1, 1], [], []>, transpose_lhs_hint = false} : vector<512x128xf32>, vector<128x128xf32>, vector<512x128xf32> -> vector<512x128xf32>
    %mul3A_39 = vector.broadcast %rsqrt3A : vector<512x1xf32> to vector<512x128xf32>
    %mul3A_40 = arith.mulf %dot_general3A_38, %mul3A_39 : vector<512x128xf32>
    %swap3A_41 = arith.constant 0 : index
    %swap3A_42 = arith.constant 0 : index
    %swap3A_43 = vector.load %arg7[%swap3A_41, %swap3A_42] : memref<512x128xf32, #tpu.memory_space<vmem>>, vector<512x128xf32>
    tpu.vector_store %arg7[%swap3A_41, %swap3A_42], %mul3A_40 {strides = array<i32>} : memref<512x128xf32, #tpu.memory_space<vmem>>, vector<512x128xf32>,
    return
  }
  func.func @transform_0(%arg0: i32) -> (i32, i32, i32) {
    %c0_i32 = arith.constant 0 : i32
    %c0_i32_0 = arith.constant 0 : i32
    %c0_i32_1 = arith.constant 0 : i32
    return %c0_i32, %arg0, %c0_i32_0 : i32, i32, i32
  }
  func.func @transform_1(%arg0: i32) -> (i32, i32) {
    %c0_i32 = arith.constant 0 : i32
    %c0_i32_0 = arith.constant 0 : i32
    return %arg0, %c0_i32 : i32, i32
  }
  func.func @transform_2(%arg0: i32) -> (i32, i32, i32) {
    %c0_i32 = arith.constant 0 : i32
    %c0_i32_0 = arith.constant 0 : i32
    %c0_i32_1 = arith.constant 0 : i32
    return %c0_i32, %arg0, %c0_i32_0 : i32, i32, i32
  }
  func.func @transform_3(%arg0: i32) -> (i32, i32) {
    %c0_i32 = arith.constant 0 : i32
    %c0_i32_0 = arith.constant 0 : i32
    %c0_i32_1 = arith.constant 0 : i32
    return %c0_i32, %c0_i32_0 : i32, i32
  }
  func.func @transform_4(%arg0: i32) -> (i32, i32) {
    %c0_i32 = arith.constant 0 : i32
    %c0_i32_0 = arith.constant 0 : i32
    %c0_i32_1 = arith.constant 0 : i32
    return %c0_i32, %c0_i32_0 : i32, i32
  }
  func.func @transform_5(%arg0: i32) -> (i32, i32) {
    %c0_i32 = arith.constant 0 : i32
    %c0_i32_0 = arith.constant 0 : i32
    return %arg0, %c0_i32 : i32, i32
  }
  func.func @transform_6(%arg0: i32) -> (i32, i32) {
    %c0_i32 = arith.constant 0 : i32
    %c0_i32_0 = arith.constant 0 : i32
    return %arg0, %c0_i32 : i32, i32
  }
}

module attributes {stable_mosaic.version = 14 : i64} {
  func.func @_stage6_body(%arg0: i32, %arg1: memref<512x140xf32, #tpu.memory_space<vmem>>, %arg2: memref<512x128xf32, #tpu.memory_space<vmem>>, %arg3: memref<512x128xf32, #tpu.memory_space<vmem>>, %arg4: memref<2x512x128xf32, #tpu.memory_space<vmem>>, %arg5: memref<2x512x1xf32, #tpu.memory_space<vmem>>, %arg6: memref<1x128xf32, #tpu.memory_space<vmem>>, %arg7: memref<512x1xi32, #tpu.memory_space<vmem>>, %arg8: memref<512x396xf32, #tpu.memory_space<vmem>>) attributes {dimension_semantics = [#tpu.dimension_semantics<arbitrary>], iteration_bounds = array<i64: 20>, scalar_prefetch = 0 : i64, scratch_operands = 0 : i64, tpu.core_type = #tpu.core_type<tc>, window_params = [{transform_indices = @transform_0, window_bounds = array<i64: 512, 140>}, {transform_indices = @transform_1, window_bounds = array<i64: 512, 128>}, {transform_indices = @transform_2, window_bounds = array<i64: 512, 128>}, {transform_indices = @transform_3, window_bounds = array<i64: 2, 512, 128>}, {transform_indices = @transform_4, window_bounds = array<i64: 2, 512, 1>}, {pipeline_mode = #tpu.pipeline_mode<synchronous>, transform_indices = @transform_5, window_bounds = array<i64: 1, 128>}, {transform_indices = @transform_6, window_bounds = array<i64: 512, 1>}, {pipeline_mode = #tpu.pipeline_mode<synchronous>, transform_indices = @transform_7, window_bounds = array<i64: 512, 396>}]} {
    %get3A = arith.constant 0 : index
    %get3A_0 = arith.constant 0 : index
    %get3A_1 = arith.constant 0 : index
    %get3A_2 = vector.load %arg5[%get3A, %get3A_0, %get3A_1] : memref<2x512x1xf32, #tpu.memory_space<vmem>>, vector<1x512x1xf32>
    %get3A_3 = vector.shape_cast %get3A_2 : vector<1x512x1xf32> to vector<512x1xf32>
    %get3A_4 = arith.constant 1 : index
    %get3A_5 = arith.constant 0 : index
    %get3A_6 = arith.constant 0 : index
    %get3A_7 = vector.load %arg5[%get3A_4, %get3A_5, %get3A_6] : memref<2x512x1xf32, #tpu.memory_space<vmem>>, vector<1x512x1xf32>
    %get3A_8 = vector.shape_cast %get3A_7 : vector<1x512x1xf32> to vector<512x1xf32>
    %add3A = arith.addf %get3A_3, %get3A_8 : vector<512x1xf32>
    %add3A_9 = arith.constant 1.000000e+00 : f32
    %add3A_10 = vector.broadcast %add3A_9 : f32 to vector<512x1xf32>
    %add3A_11 = arith.addf %add3A, %add3A_10 : vector<512x1xf32>
    %rsqrt3A = math.rsqrt %add3A_11 : vector<512x1xf32>
    %get3A_12 = arith.constant 0 : index
    %get3A_13 = arith.constant 0 : index
    %get3A_14 = arith.constant 0 : index
    %get3A_15 = vector.load %arg4[%get3A_12, %get3A_13, %get3A_14] : memref<2x512x128xf32, #tpu.memory_space<vmem>>, vector<1x512x128xf32>
    %get3A_16 = vector.shape_cast %get3A_15 : vector<1x512x128xf32> to vector<512x128xf32>
    %get3A_17 = arith.constant 1 : index
    %get3A_18 = arith.constant 0 : index
    %get3A_19 = arith.constant 0 : index
    %get3A_20 = vector.load %arg4[%get3A_17, %get3A_18, %get3A_19] : memref<2x512x128xf32, #tpu.memory_space<vmem>>, vector<1x512x128xf32>
    %get3A_21 = vector.shape_cast %get3A_20 : vector<1x512x128xf32> to vector<512x128xf32>
    %add3A_22 = arith.addf %get3A_16, %get3A_21 : vector<512x128xf32>
    %get3A_23 = arith.constant 0 : index
    %get3A_24 = arith.constant 0 : index
    %get3A_25 = vector.load %arg3[%get3A_23, %get3A_24] : memref<512x128xf32, #tpu.memory_space<vmem>>, vector<512x128xf32>
    %add3A_26 = arith.addf %add3A_22, %get3A_25 : vector<512x128xf32>
    %mul3A = vector.broadcast %rsqrt3A : vector<512x1xf32> to vector<512x128xf32>
    %mul3A_27 = arith.mulf %mul3A, %add3A_26 : vector<512x128xf32>
    %get3A_28 = arith.constant 0 : index
    %get3A_29 = arith.constant 0 : index
    %get3A_30 = vector.load %arg6[%get3A_28, %get3A_29] : memref<1x128xf32, #tpu.memory_space<vmem>>, vector<1x128xf32>
    %add3A_31 = vector.broadcast %get3A_30 : vector<1x128xf32> to vector<512x128xf32>
    %add3A_32 = arith.addf %mul3A_27, %add3A_31 : vector<512x128xf32>
    %tanh3A = math.tanh %add3A_32 : vector<512x128xf32>
    %get3A_33 = arith.constant 0 : index
    %get3A_34 = arith.constant 0 : index
    %get3A_35 = vector.load %arg1[%get3A_33, %get3A_34] : memref<512x140xf32, #tpu.memory_space<vmem>>, vector<512x140xf32>
    %get3A_36 = arith.constant 0 : index
    %get3A_37 = arith.constant 0 : index
    %get3A_38 = vector.load %arg2[%get3A_36, %get3A_37] : memref<512x128xf32, #tpu.memory_space<vmem>>, vector<512x128xf32>
    %concatenate3A = tpu.concatenate %get3A_35, %get3A_38, %tanh3A in 1 : vector<512x140xf32>, vector<512x128xf32>, vector<512x128xf32> -> vector<512x396xf32>
    %iota3A = tpu.iota {dimensions = array<i32: 1>} : vector<512x512xi32>
    %get3A_39 = arith.constant 0 : index
    %get3A_40 = arith.constant 0 : index
    %get3A_41 = vector.load %arg7[%get3A_39, %get3A_40] : memref<512x1xi32, #tpu.memory_space<vmem>>, vector<512x1xi32>
    %broadcast_in_dim3A = vector.shape_cast %get3A_41 : vector<512x1xi32> to vector<512x1xi32>
    %broadcast_in_dim3A_42 = vector.broadcast %broadcast_in_dim3A : vector<512x1xi32> to vector<512x512xi32>
    %eq3A = arith.cmpi eq, %broadcast_in_dim3A_42, %iota3A : vector<512x512xi32>
    %convert_element_type3A = arith.extui %eq3A : vector<512x512xi1> to vector<512x512xi32>
    %convert_element_type3A_43 = arith.sitofp %convert_element_type3A : vector<512x512xi32> to vector<512x512xf32>
    %dot_general3A = arith.constant dense<0.000000e+00> : vector<512x396xf32>
    %dot_general3A_44 = tpu.matmul %convert_element_type3A_43, %concatenate3A, %dot_general3A {dimension_numbers = #tpu.dot_dimension_numbers<[0], [0], [1], [1], [0, 1, 1, 1], [], []>, transpose_lhs_hint = false} : vector<512x512xf32>, vector<512x396xf32>, vector<512x396xf32> -> vector<512x396xf32>
    %eq3A_45 = arith.constant 0 : i32
    %eq3A_46 = arith.cmpi eq, %arg0, %eq3A_45 : i32
    %convert_element_type3A_47 = arith.extui %eq3A_46 : i1 to i32
    %cond3A = arith.constant 0 : i32
    %cond3A_48 = arith.cmpi ne, %convert_element_type3A_47, %cond3A : i32
    scf.if %cond3A_48 {
      %broadcast_in_dim3A_55 = arith.constant 0.000000e+00 : f32
      %broadcast_in_dim3A_56 = vector.broadcast %broadcast_in_dim3A_55 : f32 to vector<512x396xf32>
      %swap3A_57 = arith.constant 0 : index
      %swap3A_58 = arith.constant 0 : index
      %swap3A_59 = vector.load %arg8[%swap3A_57, %swap3A_58] : memref<512x396xf32, #tpu.memory_space<vmem>>, vector<512x396xf32>
      tpu.vector_store %arg8[%swap3A_57, %swap3A_58], %broadcast_in_dim3A_56 {strides = array<i32>} : memref<512x396xf32, #tpu.memory_space<vmem>>, vector<512x396xf32>,
    } else {
    }
    %get3A_49 = arith.constant 0 : index
    %get3A_50 = arith.constant 0 : index
    %get3A_51 = vector.load %arg8[%get3A_49, %get3A_50] : memref<512x396xf32, #tpu.memory_space<vmem>>, vector<512x396xf32>
    %add3A_52 = arith.addf %get3A_51, %dot_general3A_44 : vector<512x396xf32>
    %swap3A = arith.constant 0 : index
    %swap3A_53 = arith.constant 0 : index
    %swap3A_54 = vector.load %arg8[%swap3A, %swap3A_53] : memref<512x396xf32, #tpu.memory_space<vmem>>, vector<512x396xf32>
    tpu.vector_store %arg8[%swap3A, %swap3A_53], %add3A_52 {strides = array<i32>} : memref<512x396xf32, #tpu.memory_space<vmem>>, vector<512x396xf32>,
    return
  }
  func.func @transform_0(%arg0: i32) -> (i32, i32) {
    %c0_i32 = arith.constant 0 : i32
    %c0_i32_0 = arith.constant 0 : i32
    return %arg0, %c0_i32 : i32, i32
  }
  func.func @transform_1(%arg0: i32) -> (i32, i32) {
    %c0_i32 = arith.constant 0 : i32
    %c0_i32_0 = arith.constant 0 : i32
    return %arg0, %c0_i32 : i32, i32
  }
  func.func @transform_2(%arg0: i32) -> (i32, i32) {
    %c0_i32 = arith.constant 0 : i32
    %c0_i32_0 = arith.constant 0 : i32
    return %arg0, %c0_i32 : i32, i32
  }
  func.func @transform_3(%arg0: i32) -> (i32, i32, i32) {
    %c0_i32 = arith.constant 0 : i32
    %c0_i32_0 = arith.constant 0 : i32
    %c0_i32_1 = arith.constant 0 : i32
    return %c0_i32, %arg0, %c0_i32_0 : i32, i32, i32
  }
  func.func @transform_4(%arg0: i32) -> (i32, i32, i32) {
    %c0_i32 = arith.constant 0 : i32
    %c0_i32_0 = arith.constant 0 : i32
    %c0_i32_1 = arith.constant 0 : i32
    return %c0_i32, %arg0, %c0_i32_0 : i32, i32, i32
  }
  func.func @transform_5(%arg0: i32) -> (i32, i32) {
    %c0_i32 = arith.constant 0 : i32
    %c0_i32_0 = arith.constant 0 : i32
    %c0_i32_1 = arith.constant 0 : i32
    return %c0_i32, %c0_i32_0 : i32, i32
  }
  func.func @transform_6(%arg0: i32) -> (i32, i32) {
    %c0_i32 = arith.constant 0 : i32
    %c0_i32_0 = arith.constant 0 : i32
    return %arg0, %c0_i32 : i32, i32
  }
  func.func @transform_7(%arg0: i32) -> (i32, i32) {
    %c0_i32 = arith.constant 0 : i32
    %c0_i32_0 = arith.constant 0 : i32
    %c0_i32_1 = arith.constant 0 : i32
    return %c0_i32, %c0_i32_0 : i32, i32
  }
}

module attributes {stable_mosaic.version = 14 : i64} {
  func.func @_stage7_body(%arg0: memref<512x396xf32, #tpu.memory_space<vmem>>, %arg1: memref<396x396xf32, #tpu.memory_space<vmem>>, %arg2: memref<1x396xf32, #tpu.memory_space<vmem>>, %arg3: memref<1x396xf32, #tpu.memory_space<vmem>>, %arg4: memref<1x396xf32, #tpu.memory_space<vmem>>, %arg5: memref<8000x1xi32, #tpu.memory_space<vmem>>, %arg6: memref<8000x1xi32, #tpu.memory_space<vmem>>, %arg7: memref<396x396xf32, #tpu.memory_space<vmem>>, %arg8: memref<396x396xf32, #tpu.memory_space<vmem>>, %arg9: memref<1x396xf32, #tpu.memory_space<vmem>>, %arg10: memref<512x396xf32, #tpu.memory_space<vmem>>) attributes {dimension_semantics = [], scalar_prefetch = 0 : i64, scratch_operands = 0 : i64, tpu.core_type = #tpu.core_type<tc>} {
    %get3A = arith.constant 0 : index
    %get3A_0 = arith.constant 0 : index
    %get3A_1 = vector.load %arg0[%get3A, %get3A_0] : memref<512x396xf32, #tpu.memory_space<vmem>>, vector<512x396xf32>
    %iota3A = tpu.iota {dimensions = array<i32: 1>} : vector<500x512xi32>
    %broadcast_in_dim3A = arith.constant 0.000000e+00 : f32
    %broadcast_in_dim3A_2 = vector.broadcast %broadcast_in_dim3A : f32 to vector<512x512xf32>
    %get3A_3 = arith.constant 0 : index
    %get3A_4 = arith.constant 0 : index
    %get3A_5 = vector.load %arg5[%get3A_3, %get3A_4] : memref<8000x1xi32, #tpu.memory_space<vmem>>, vector<500x1xi32>
    %get3A_6 = arith.constant 0 : index
    %get3A_7 = arith.constant 0 : index
    %get3A_8 = vector.load %arg6[%get3A_6, %get3A_7] : memref<8000x1xi32, #tpu.memory_space<vmem>>, vector<500x1xi32>
    %broadcast_in_dim3A_9 = vector.shape_cast %get3A_5 : vector<500x1xi32> to vector<500x1xi32>
    %broadcast_in_dim3A_10 = vector.broadcast %broadcast_in_dim3A_9 : vector<500x1xi32> to vector<500x512xi32>
    %eq3A = arith.cmpi eq, %broadcast_in_dim3A_10, %iota3A : vector<500x512xi32>
    %convert_element_type3A = arith.extui %eq3A : vector<500x512xi1> to vector<500x512xi32>
    %convert_element_type3A_11 = arith.sitofp %convert_element_type3A : vector<500x512xi32> to vector<500x512xf32>
    %convert_element_type3A_12 = arith.truncf %convert_element_type3A_11 : vector<500x512xf32> to vector<500x512xbf16>
    %broadcast_in_dim3A_13 = vector.shape_cast %get3A_8 : vector<500x1xi32> to vector<500x1xi32>
    %broadcast_in_dim3A_14 = vector.broadcast %broadcast_in_dim3A_13 : vector<500x1xi32> to vector<500x512xi32>
    %eq3A_15 = arith.cmpi eq, %broadcast_in_dim3A_14, %iota3A : vector<500x512xi32>
    %convert_element_type3A_16 = arith.extui %eq3A_15 : vector<500x512xi1> to vector<500x512xi32>
    %convert_element_type3A_17 = arith.sitofp %convert_element_type3A_16 : vector<500x512xi32> to vector<500x512xf32>
    %convert_element_type3A_18 = arith.truncf %convert_element_type3A_17 : vector<500x512xf32> to vector<500x512xbf16>
    %dot_general3A = arith.constant dense<0.000000e+00> : vector<512x512xf32>
    %dot_general3A_19 = tpu.matmul %convert_element_type3A_18, %convert_element_type3A_12, %dot_general3A {dimension_numbers = #tpu.dot_dimension_numbers<[0], [0], [1], [1], [0, 1, 1, 1], [], []>, transpose_lhs_hint = false} : vector<500x512xbf16>, vector<500x512xbf16>, vector<512x512xf32> -> vector<512x512xf32>
    %add3A = arith.addf %broadcast_in_dim3A_2, %dot_general3A_19 : vector<512x512xf32>
    %get3A_20 = arith.constant 500 : index
    %get3A_21 = arith.constant 0 : index
    %get3A_22 = vector.load %arg5[%get3A_20, %get3A_21] : memref<8000x1xi32, #tpu.memory_space<vmem>>, vector<500x1xi32>
    %get3A_23 = arith.constant 500 : index
    %get3A_24 = arith.constant 0 : index
    %get3A_25 = vector.load %arg6[%get3A_23, %get3A_24] : memref<8000x1xi32, #tpu.memory_space<vmem>>, vector<500x1xi32>
    %broadcast_in_dim3A_26 = vector.shape_cast %get3A_22 : vector<500x1xi32> to vector<500x1xi32>
    %broadcast_in_dim3A_27 = vector.broadcast %broadcast_in_dim3A_26 : vector<500x1xi32> to vector<500x512xi32>
    %eq3A_28 = arith.cmpi eq, %broadcast_in_dim3A_27, %iota3A : vector<500x512xi32>
    %convert_element_type3A_29 = arith.extui %eq3A_28 : vector<500x512xi1> to vector<500x512xi32>
    %convert_element_type3A_30 = arith.sitofp %convert_element_type3A_29 : vector<500x512xi32> to vector<500x512xf32>
    %convert_element_type3A_31 = arith.truncf %convert_element_type3A_30 : vector<500x512xf32> to vector<500x512xbf16>
    %broadcast_in_dim3A_32 = vector.shape_cast %get3A_25 : vector<500x1xi32> to vector<500x1xi32>
    %broadcast_in_dim3A_33 = vector.broadcast %broadcast_in_dim3A_32 : vector<500x1xi32> to vector<500x512xi32>
    %eq3A_34 = arith.cmpi eq, %broadcast_in_dim3A_33, %iota3A : vector<500x512xi32>
    %convert_element_type3A_35 = arith.extui %eq3A_34 : vector<500x512xi1> to vector<500x512xi32>
    %convert_element_type3A_36 = arith.sitofp %convert_element_type3A_35 : vector<500x512xi32> to vector<500x512xf32>
    %convert_element_type3A_37 = arith.truncf %convert_element_type3A_36 : vector<500x512xf32> to vector<500x512xbf16>
    %dot_general3A_38 = arith.constant dense<0.000000e+00> : vector<512x512xf32>
    %dot_general3A_39 = tpu.matmul %convert_element_type3A_37, %convert_element_type3A_31, %dot_general3A_38 {dimension_numbers = #tpu.dot_dimension_numbers<[0], [0], [1], [1], [0, 1, 1, 1], [], []>, transpose_lhs_hint = false} : vector<500x512xbf16>, vector<500x512xbf16>, vector<512x512xf32> -> vector<512x512xf32>
    %add3A_40 = arith.addf %add3A, %dot_general3A_39 : vector<512x512xf32>
    %get3A_41 = arith.constant 1000 : index
    %get3A_42 = arith.constant 0 : index
    %get3A_43 = vector.load %arg5[%get3A_41, %get3A_42] : memref<8000x1xi32, #tpu.memory_space<vmem>>, vector<500x1xi32>
    %get3A_44 = arith.constant 1000 : index
    %get3A_45 = arith.constant 0 : index
    %get3A_46 = vector.load %arg6[%get3A_44, %get3A_45] : memref<8000x1xi32, #tpu.memory_space<vmem>>, vector<500x1xi32>
    %broadcast_in_dim3A_47 = vector.shape_cast %get3A_43 : vector<500x1xi32> to vector<500x1xi32>
    %broadcast_in_dim3A_48 = vector.broadcast %broadcast_in_dim3A_47 : vector<500x1xi32> to vector<500x512xi32>
    %eq3A_49 = arith.cmpi eq, %broadcast_in_dim3A_48, %iota3A : vector<500x512xi32>
    %convert_element_type3A_50 = arith.extui %eq3A_49 : vector<500x512xi1> to vector<500x512xi32>
    %convert_element_type3A_51 = arith.sitofp %convert_element_type3A_50 : vector<500x512xi32> to vector<500x512xf32>
    %convert_element_type3A_52 = arith.truncf %convert_element_type3A_51 : vector<500x512xf32> to vector<500x512xbf16>
    %broadcast_in_dim3A_53 = vector.shape_cast %get3A_46 : vector<500x1xi32> to vector<500x1xi32>
    %broadcast_in_dim3A_54 = vector.broadcast %broadcast_in_dim3A_53 : vector<500x1xi32> to vector<500x512xi32>
    %eq3A_55 = arith.cmpi eq, %broadcast_in_dim3A_54, %iota3A : vector<500x512xi32>
    %convert_element_type3A_56 = arith.extui %eq3A_55 : vector<500x512xi1> to vector<500x512xi32>
    %convert_element_type3A_57 = arith.sitofp %convert_element_type3A_56 : vector<500x512xi32> to vector<500x512xf32>
    %convert_element_type3A_58 = arith.truncf %convert_element_type3A_57 : vector<500x512xf32> to vector<500x512xbf16>
    %dot_general3A_59 = arith.constant dense<0.000000e+00> : vector<512x512xf32>
    %dot_general3A_60 = tpu.matmul %convert_element_type3A_58, %convert_element_type3A_52, %dot_general3A_59 {dimension_numbers = #tpu.dot_dimension_numbers<[0], [0], [1], [1], [0, 1, 1, 1], [], []>, transpose_lhs_hint = false} : vector<500x512xbf16>, vector<500x512xbf16>, vector<512x512xf32> -> vector<512x512xf32>
    %add3A_61 = arith.addf %add3A_40, %dot_general3A_60 : vector<512x512xf32>
    %get3A_62 = arith.constant 1500 : index
    %get3A_63 = arith.constant 0 : index
    %get3A_64 = vector.load %arg5[%get3A_62, %get3A_63] : memref<8000x1xi32, #tpu.memory_space<vmem>>, vector<500x1xi32>
    %get3A_65 = arith.constant 1500 : index
    %get3A_66 = arith.constant 0 : index
    %get3A_67 = vector.load %arg6[%get3A_65, %get3A_66] : memref<8000x1xi32, #tpu.memory_space<vmem>>, vector<500x1xi32>
    %broadcast_in_dim3A_68 = vector.shape_cast %get3A_64 : vector<500x1xi32> to vector<500x1xi32>
    %broadcast_in_dim3A_69 = vector.broadcast %broadcast_in_dim3A_68 : vector<500x1xi32> to vector<500x512xi32>
    %eq3A_70 = arith.cmpi eq, %broadcast_in_dim3A_69, %iota3A : vector<500x512xi32>
    %convert_element_type3A_71 = arith.extui %eq3A_70 : vector<500x512xi1> to vector<500x512xi32>
    %convert_element_type3A_72 = arith.sitofp %convert_element_type3A_71 : vector<500x512xi32> to vector<500x512xf32>
    %convert_element_type3A_73 = arith.truncf %convert_element_type3A_72 : vector<500x512xf32> to vector<500x512xbf16>
    %broadcast_in_dim3A_74 = vector.shape_cast %get3A_67 : vector<500x1xi32> to vector<500x1xi32>
    %broadcast_in_dim3A_75 = vector.broadcast %broadcast_in_dim3A_74 : vector<500x1xi32> to vector<500x512xi32>
    %eq3A_76 = arith.cmpi eq, %broadcast_in_dim3A_75, %iota3A : vector<500x512xi32>
    %convert_element_type3A_77 = arith.extui %eq3A_76 : vector<500x512xi1> to vector<500x512xi32>
    %convert_element_type3A_78 = arith.sitofp %convert_element_type3A_77 : vector<500x512xi32> to vector<500x512xf32>
    %convert_element_type3A_79 = arith.truncf %convert_element_type3A_78 : vector<500x512xf32> to vector<500x512xbf16>
    %dot_general3A_80 = arith.constant dense<0.000000e+00> : vector<512x512xf32>
    %dot_general3A_81 = tpu.matmul %convert_element_type3A_79, %convert_element_type3A_73, %dot_general3A_80 {dimension_numbers = #tpu.dot_dimension_numbers<[0], [0], [1], [1], [0, 1, 1, 1], [], []>, transpose_lhs_hint = false} : vector<500x512xbf16>, vector<500x512xbf16>, vector<512x512xf32> -> vector<512x512xf32>
    %add3A_82 = arith.addf %add3A_61, %dot_general3A_81 : vector<512x512xf32>
    %get3A_83 = arith.constant 2000 : index
    %get3A_84 = arith.constant 0 : index
    %get3A_85 = vector.load %arg5[%get3A_83, %get3A_84] : memref<8000x1xi32, #tpu.memory_space<vmem>>, vector<500x1xi32>
    %get3A_86 = arith.constant 2000 : index
    %get3A_87 = arith.constant 0 : index
    %get3A_88 = vector.load %arg6[%get3A_86, %get3A_87] : memref<8000x1xi32, #tpu.memory_space<vmem>>, vector<500x1xi32>
    %broadcast_in_dim3A_89 = vector.shape_cast %get3A_85 : vector<500x1xi32> to vector<500x1xi32>
    %broadcast_in_dim3A_90 = vector.broadcast %broadcast_in_dim3A_89 : vector<500x1xi32> to vector<500x512xi32>
    %eq3A_91 = arith.cmpi eq, %broadcast_in_dim3A_90, %iota3A : vector<500x512xi32>
    %convert_element_type3A_92 = arith.extui %eq3A_91 : vector<500x512xi1> to vector<500x512xi32>
    %convert_element_type3A_93 = arith.sitofp %convert_element_type3A_92 : vector<500x512xi32> to vector<500x512xf32>
    %convert_element_type3A_94 = arith.truncf %convert_element_type3A_93 : vector<500x512xf32> to vector<500x512xbf16>
    %broadcast_in_dim3A_95 = vector.shape_cast %get3A_88 : vector<500x1xi32> to vector<500x1xi32>
    %broadcast_in_dim3A_96 = vector.broadcast %broadcast_in_dim3A_95 : vector<500x1xi32> to vector<500x512xi32>
    %eq3A_97 = arith.cmpi eq, %broadcast_in_dim3A_96, %iota3A : vector<500x512xi32>
    %convert_element_type3A_98 = arith.extui %eq3A_97 : vector<500x512xi1> to vector<500x512xi32>
    %convert_element_type3A_99 = arith.sitofp %convert_element_type3A_98 : vector<500x512xi32> to vector<500x512xf32>
    %convert_element_type3A_100 = arith.truncf %convert_element_type3A_99 : vector<500x512xf32> to vector<500x512xbf16>
    %dot_general3A_101 = arith.constant dense<0.000000e+00> : vector<512x512xf32>
    %dot_general3A_102 = tpu.matmul %convert_element_type3A_100, %convert_element_type3A_94, %dot_general3A_101 {dimension_numbers = #tpu.dot_dimension_numbers<[0], [0], [1], [1], [0, 1, 1, 1], [], []>, transpose_lhs_hint = false} : vector<500x512xbf16>, vector<500x512xbf16>, vector<512x512xf32> -> vector<512x512xf32>
    %add3A_103 = arith.addf %add3A_82, %dot_general3A_102 : vector<512x512xf32>
    %get3A_104 = arith.constant 2500 : index
    %get3A_105 = arith.constant 0 : index
    %get3A_106 = vector.load %arg5[%get3A_104, %get3A_105] : memref<8000x1xi32, #tpu.memory_space<vmem>>, vector<500x1xi32>
    %get3A_107 = arith.constant 2500 : index
    %get3A_108 = arith.constant 0 : index
    %get3A_109 = vector.load %arg6[%get3A_107, %get3A_108] : memref<8000x1xi32, #tpu.memory_space<vmem>>, vector<500x1xi32>
    %broadcast_in_dim3A_110 = vector.shape_cast %get3A_106 : vector<500x1xi32> to vector<500x1xi32>
    %broadcast_in_dim3A_111 = vector.broadcast %broadcast_in_dim3A_110 : vector<500x1xi32> to vector<500x512xi32>
    %eq3A_112 = arith.cmpi eq, %broadcast_in_dim3A_111, %iota3A : vector<500x512xi32>
    %convert_element_type3A_113 = arith.extui %eq3A_112 : vector<500x512xi1> to vector<500x512xi32>
    %convert_element_type3A_114 = arith.sitofp %convert_element_type3A_113 : vector<500x512xi32> to vector<500x512xf32>
    %convert_element_type3A_115 = arith.truncf %convert_element_type3A_114 : vector<500x512xf32> to vector<500x512xbf16>
    %broadcast_in_dim3A_116 = vector.shape_cast %get3A_109 : vector<500x1xi32> to vector<500x1xi32>
    %broadcast_in_dim3A_117 = vector.broadcast %broadcast_in_dim3A_116 : vector<500x1xi32> to vector<500x512xi32>
    %eq3A_118 = arith.cmpi eq, %broadcast_in_dim3A_117, %iota3A : vector<500x512xi32>
    %convert_element_type3A_119 = arith.extui %eq3A_118 : vector<500x512xi1> to vector<500x512xi32>
    %convert_element_type3A_120 = arith.sitofp %convert_element_type3A_119 : vector<500x512xi32> to vector<500x512xf32>
    %convert_element_type3A_121 = arith.truncf %convert_element_type3A_120 : vector<500x512xf32> to vector<500x512xbf16>
    %dot_general3A_122 = arith.constant dense<0.000000e+00> : vector<512x512xf32>
    %dot_general3A_123 = tpu.matmul %convert_element_type3A_121, %convert_element_type3A_115, %dot_general3A_122 {dimension_numbers = #tpu.dot_dimension_numbers<[0], [0], [1], [1], [0, 1, 1, 1], [], []>, transpose_lhs_hint = false} : vector<500x512xbf16>, vector<500x512xbf16>, vector<512x512xf32> -> vector<512x512xf32>
    %add3A_124 = arith.addf %add3A_103, %dot_general3A_123 : vector<512x512xf32>
    %get3A_125 = arith.constant 3000 : index
    %get3A_126 = arith.constant 0 : index
    %get3A_127 = vector.load %arg5[%get3A_125, %get3A_126] : memref<8000x1xi32, #tpu.memory_space<vmem>>, vector<500x1xi32>
    %get3A_128 = arith.constant 3000 : index
    %get3A_129 = arith.constant 0 : index
    %get3A_130 = vector.load %arg6[%get3A_128, %get3A_129] : memref<8000x1xi32, #tpu.memory_space<vmem>>, vector<500x1xi32>
    %broadcast_in_dim3A_131 = vector.shape_cast %get3A_127 : vector<500x1xi32> to vector<500x1xi32>
    %broadcast_in_dim3A_132 = vector.broadcast %broadcast_in_dim3A_131 : vector<500x1xi32> to vector<500x512xi32>
    %eq3A_133 = arith.cmpi eq, %broadcast_in_dim3A_132, %iota3A : vector<500x512xi32>
    %convert_element_type3A_134 = arith.extui %eq3A_133 : vector<500x512xi1> to vector<500x512xi32>
    %convert_element_type3A_135 = arith.sitofp %convert_element_type3A_134 : vector<500x512xi32> to vector<500x512xf32>
    %convert_element_type3A_136 = arith.truncf %convert_element_type3A_135 : vector<500x512xf32> to vector<500x512xbf16>
    %broadcast_in_dim3A_137 = vector.shape_cast %get3A_130 : vector<500x1xi32> to vector<500x1xi32>
    %broadcast_in_dim3A_138 = vector.broadcast %broadcast_in_dim3A_137 : vector<500x1xi32> to vector<500x512xi32>
    %eq3A_139 = arith.cmpi eq, %broadcast_in_dim3A_138, %iota3A : vector<500x512xi32>
    %convert_element_type3A_140 = arith.extui %eq3A_139 : vector<500x512xi1> to vector<500x512xi32>
    %convert_element_type3A_141 = arith.sitofp %convert_element_type3A_140 : vector<500x512xi32> to vector<500x512xf32>
    %convert_element_type3A_142 = arith.truncf %convert_element_type3A_141 : vector<500x512xf32> to vector<500x512xbf16>
    %dot_general3A_143 = arith.constant dense<0.000000e+00> : vector<512x512xf32>
    %dot_general3A_144 = tpu.matmul %convert_element_type3A_142, %convert_element_type3A_136, %dot_general3A_143 {dimension_numbers = #tpu.dot_dimension_numbers<[0], [0], [1], [1], [0, 1, 1, 1], [], []>, transpose_lhs_hint = false} : vector<500x512xbf16>, vector<500x512xbf16>, vector<512x512xf32> -> vector<512x512xf32>
    %add3A_145 = arith.addf %add3A_124, %dot_general3A_144 : vector<512x512xf32>
    %get3A_146 = arith.constant 3500 : index
    %get3A_147 = arith.constant 0 : index
    %get3A_148 = vector.load %arg5[%get3A_146, %get3A_147] : memref<8000x1xi32, #tpu.memory_space<vmem>>, vector<500x1xi32>
    %get3A_149 = arith.constant 3500 : index
    %get3A_150 = arith.constant 0 : index
    %get3A_151 = vector.load %arg6[%get3A_149, %get3A_150] : memref<8000x1xi32, #tpu.memory_space<vmem>>, vector<500x1xi32>
    %broadcast_in_dim3A_152 = vector.shape_cast %get3A_148 : vector<500x1xi32> to vector<500x1xi32>
    %broadcast_in_dim3A_153 = vector.broadcast %broadcast_in_dim3A_152 : vector<500x1xi32> to vector<500x512xi32>
    %eq3A_154 = arith.cmpi eq, %broadcast_in_dim3A_153, %iota3A : vector<500x512xi32>
    %convert_element_type3A_155 = arith.extui %eq3A_154 : vector<500x512xi1> to vector<500x512xi32>
    %convert_element_type3A_156 = arith.sitofp %convert_element_type3A_155 : vector<500x512xi32> to vector<500x512xf32>
    %convert_element_type3A_157 = arith.truncf %convert_element_type3A_156 : vector<500x512xf32> to vector<500x512xbf16>
    %broadcast_in_dim3A_158 = vector.shape_cast %get3A_151 : vector<500x1xi32> to vector<500x1xi32>
    %broadcast_in_dim3A_159 = vector.broadcast %broadcast_in_dim3A_158 : vector<500x1xi32> to vector<500x512xi32>
    %eq3A_160 = arith.cmpi eq, %broadcast_in_dim3A_159, %iota3A : vector<500x512xi32>
    %convert_element_type3A_161 = arith.extui %eq3A_160 : vector<500x512xi1> to vector<500x512xi32>
    %convert_element_type3A_162 = arith.sitofp %convert_element_type3A_161 : vector<500x512xi32> to vector<500x512xf32>
    %convert_element_type3A_163 = arith.truncf %convert_element_type3A_162 : vector<500x512xf32> to vector<500x512xbf16>
    %dot_general3A_164 = arith.constant dense<0.000000e+00> : vector<512x512xf32>
    %dot_general3A_165 = tpu.matmul %convert_element_type3A_163, %convert_element_type3A_157, %dot_general3A_164 {dimension_numbers = #tpu.dot_dimension_numbers<[0], [0], [1], [1], [0, 1, 1, 1], [], []>, transpose_lhs_hint = false} : vector<500x512xbf16>, vector<500x512xbf16>, vector<512x512xf32> -> vector<512x512xf32>
    %add3A_166 = arith.addf %add3A_145, %dot_general3A_165 : vector<512x512xf32>
    %get3A_167 = arith.constant 4000 : index
    %get3A_168 = arith.constant 0 : index
    %get3A_169 = vector.load %arg5[%get3A_167, %get3A_168] : memref<8000x1xi32, #tpu.memory_space<vmem>>, vector<500x1xi32>
    %get3A_170 = arith.constant 4000 : index
    %get3A_171 = arith.constant 0 : index
    %get3A_172 = vector.load %arg6[%get3A_170, %get3A_171] : memref<8000x1xi32, #tpu.memory_space<vmem>>, vector<500x1xi32>
    %broadcast_in_dim3A_173 = vector.shape_cast %get3A_169 : vector<500x1xi32> to vector<500x1xi32>
    %broadcast_in_dim3A_174 = vector.broadcast %broadcast_in_dim3A_173 : vector<500x1xi32> to vector<500x512xi32>
    %eq3A_175 = arith.cmpi eq, %broadcast_in_dim3A_174, %iota3A : vector<500x512xi32>
    %convert_element_type3A_176 = arith.extui %eq3A_175 : vector<500x512xi1> to vector<500x512xi32>
    %convert_element_type3A_177 = arith.sitofp %convert_element_type3A_176 : vector<500x512xi32> to vector<500x512xf32>
    %convert_element_type3A_178 = arith.truncf %convert_element_type3A_177 : vector<500x512xf32> to vector<500x512xbf16>
    %broadcast_in_dim3A_179 = vector.shape_cast %get3A_172 : vector<500x1xi32> to vector<500x1xi32>
    %broadcast_in_dim3A_180 = vector.broadcast %broadcast_in_dim3A_179 : vector<500x1xi32> to vector<500x512xi32>
    %eq3A_181 = arith.cmpi eq, %broadcast_in_dim3A_180, %iota3A : vector<500x512xi32>
    %convert_element_type3A_182 = arith.extui %eq3A_181 : vector<500x512xi1> to vector<500x512xi32>
    %convert_element_type3A_183 = arith.sitofp %convert_element_type3A_182 : vector<500x512xi32> to vector<500x512xf32>
    %convert_element_type3A_184 = arith.truncf %convert_element_type3A_183 : vector<500x512xf32> to vector<500x512xbf16>
    %dot_general3A_185 = arith.constant dense<0.000000e+00> : vector<512x512xf32>
    %dot_general3A_186 = tpu.matmul %convert_element_type3A_184, %convert_element_type3A_178, %dot_general3A_185 {dimension_numbers = #tpu.dot_dimension_numbers<[0], [0], [1], [1], [0, 1, 1, 1], [], []>, transpose_lhs_hint = false} : vector<500x512xbf16>, vector<500x512xbf16>, vector<512x512xf32> -> vector<512x512xf32>
    %add3A_187 = arith.addf %add3A_166, %dot_general3A_186 : vector<512x512xf32>
    %get3A_188 = arith.constant 4500 : index
    %get3A_189 = arith.constant 0 : index
    %get3A_190 = vector.load %arg5[%get3A_188, %get3A_189] : memref<8000x1xi32, #tpu.memory_space<vmem>>, vector<500x1xi32>
    %get3A_191 = arith.constant 4500 : index
    %get3A_192 = arith.constant 0 : index
    %get3A_193 = vector.load %arg6[%get3A_191, %get3A_192] : memref<8000x1xi32, #tpu.memory_space<vmem>>, vector<500x1xi32>
    %broadcast_in_dim3A_194 = vector.shape_cast %get3A_190 : vector<500x1xi32> to vector<500x1xi32>
    %broadcast_in_dim3A_195 = vector.broadcast %broadcast_in_dim3A_194 : vector<500x1xi32> to vector<500x512xi32>
    %eq3A_196 = arith.cmpi eq, %broadcast_in_dim3A_195, %iota3A : vector<500x512xi32>
    %convert_element_type3A_197 = arith.extui %eq3A_196 : vector<500x512xi1> to vector<500x512xi32>
    %convert_element_type3A_198 = arith.sitofp %convert_element_type3A_197 : vector<500x512xi32> to vector<500x512xf32>
    %convert_element_type3A_199 = arith.truncf %convert_element_type3A_198 : vector<500x512xf32> to vector<500x512xbf16>
    %broadcast_in_dim3A_200 = vector.shape_cast %get3A_193 : vector<500x1xi32> to vector<500x1xi32>
    %broadcast_in_dim3A_201 = vector.broadcast %broadcast_in_dim3A_200 : vector<500x1xi32> to vector<500x512xi32>
    %eq3A_202 = arith.cmpi eq, %broadcast_in_dim3A_201, %iota3A : vector<500x512xi32>
    %convert_element_type3A_203 = arith.extui %eq3A_202 : vector<500x512xi1> to vector<500x512xi32>
    %convert_element_type3A_204 = arith.sitofp %convert_element_type3A_203 : vector<500x512xi32> to vector<500x512xf32>
    %convert_element_type3A_205 = arith.truncf %convert_element_type3A_204 : vector<500x512xf32> to vector<500x512xbf16>
    %dot_general3A_206 = arith.constant dense<0.000000e+00> : vector<512x512xf32>
    %dot_general3A_207 = tpu.matmul %convert_element_type3A_205, %convert_element_type3A_199, %dot_general3A_206 {dimension_numbers = #tpu.dot_dimension_numbers<[0], [0], [1], [1], [0, 1, 1, 1], [], []>, transpose_lhs_hint = false} : vector<500x512xbf16>, vector<500x512xbf16>, vector<512x512xf32> -> vector<512x512xf32>
    %add3A_208 = arith.addf %add3A_187, %dot_general3A_207 : vector<512x512xf32>
    %get3A_209 = arith.constant 5000 : index
    %get3A_210 = arith.constant 0 : index
    %get3A_211 = vector.load %arg5[%get3A_209, %get3A_210] : memref<8000x1xi32, #tpu.memory_space<vmem>>, vector<500x1xi32>
    %get3A_212 = arith.constant 5000 : index
    %get3A_213 = arith.constant 0 : index
    %get3A_214 = vector.load %arg6[%get3A_212, %get3A_213] : memref<8000x1xi32, #tpu.memory_space<vmem>>, vector<500x1xi32>
    %broadcast_in_dim3A_215 = vector.shape_cast %get3A_211 : vector<500x1xi32> to vector<500x1xi32>
    %broadcast_in_dim3A_216 = vector.broadcast %broadcast_in_dim3A_215 : vector<500x1xi32> to vector<500x512xi32>
    %eq3A_217 = arith.cmpi eq, %broadcast_in_dim3A_216, %iota3A : vector<500x512xi32>
    %convert_element_type3A_218 = arith.extui %eq3A_217 : vector<500x512xi1> to vector<500x512xi32>
    %convert_element_type3A_219 = arith.sitofp %convert_element_type3A_218 : vector<500x512xi32> to vector<500x512xf32>
    %convert_element_type3A_220 = arith.truncf %convert_element_type3A_219 : vector<500x512xf32> to vector<500x512xbf16>
    %broadcast_in_dim3A_221 = vector.shape_cast %get3A_214 : vector<500x1xi32> to vector<500x1xi32>
    %broadcast_in_dim3A_222 = vector.broadcast %broadcast_in_dim3A_221 : vector<500x1xi32> to vector<500x512xi32>
    %eq3A_223 = arith.cmpi eq, %broadcast_in_dim3A_222, %iota3A : vector<500x512xi32>
    %convert_element_type3A_224 = arith.extui %eq3A_223 : vector<500x512xi1> to vector<500x512xi32>
    %convert_element_type3A_225 = arith.sitofp %convert_element_type3A_224 : vector<500x512xi32> to vector<500x512xf32>
    %convert_element_type3A_226 = arith.truncf %convert_element_type3A_225 : vector<500x512xf32> to vector<500x512xbf16>
    %dot_general3A_227 = arith.constant dense<0.000000e+00> : vector<512x512xf32>
    %dot_general3A_228 = tpu.matmul %convert_element_type3A_226, %convert_element_type3A_220, %dot_general3A_227 {dimension_numbers = #tpu.dot_dimension_numbers<[0], [0], [1], [1], [0, 1, 1, 1], [], []>, transpose_lhs_hint = false} : vector<500x512xbf16>, vector<500x512xbf16>, vector<512x512xf32> -> vector<512x512xf32>
    %add3A_229 = arith.addf %add3A_208, %dot_general3A_228 : vector<512x512xf32>
    %get3A_230 = arith.constant 5500 : index
    %get3A_231 = arith.constant 0 : index
    %get3A_232 = vector.load %arg5[%get3A_230, %get3A_231] : memref<8000x1xi32, #tpu.memory_space<vmem>>, vector<500x1xi32>
    %get3A_233 = arith.constant 5500 : index
    %get3A_234 = arith.constant 0 : index
    %get3A_235 = vector.load %arg6[%get3A_233, %get3A_234] : memref<8000x1xi32, #tpu.memory_space<vmem>>, vector<500x1xi32>
    %broadcast_in_dim3A_236 = vector.shape_cast %get3A_232 : vector<500x1xi32> to vector<500x1xi32>
    %broadcast_in_dim3A_237 = vector.broadcast %broadcast_in_dim3A_236 : vector<500x1xi32> to vector<500x512xi32>
    %eq3A_238 = arith.cmpi eq, %broadcast_in_dim3A_237, %iota3A : vector<500x512xi32>
    %convert_element_type3A_239 = arith.extui %eq3A_238 : vector<500x512xi1> to vector<500x512xi32>
    %convert_element_type3A_240 = arith.sitofp %convert_element_type3A_239 : vector<500x512xi32> to vector<500x512xf32>
    %convert_element_type3A_241 = arith.truncf %convert_element_type3A_240 : vector<500x512xf32> to vector<500x512xbf16>
    %broadcast_in_dim3A_242 = vector.shape_cast %get3A_235 : vector<500x1xi32> to vector<500x1xi32>
    %broadcast_in_dim3A_243 = vector.broadcast %broadcast_in_dim3A_242 : vector<500x1xi32> to vector<500x512xi32>
    %eq3A_244 = arith.cmpi eq, %broadcast_in_dim3A_243, %iota3A : vector<500x512xi32>
    %convert_element_type3A_245 = arith.extui %eq3A_244 : vector<500x512xi1> to vector<500x512xi32>
    %convert_element_type3A_246 = arith.sitofp %convert_element_type3A_245 : vector<500x512xi32> to vector<500x512xf32>
    %convert_element_type3A_247 = arith.truncf %convert_element_type3A_246 : vector<500x512xf32> to vector<500x512xbf16>
    %dot_general3A_248 = arith.constant dense<0.000000e+00> : vector<512x512xf32>
    %dot_general3A_249 = tpu.matmul %convert_element_type3A_247, %convert_element_type3A_241, %dot_general3A_248 {dimension_numbers = #tpu.dot_dimension_numbers<[0], [0], [1], [1], [0, 1, 1, 1], [], []>, transpose_lhs_hint = false} : vector<500x512xbf16>, vector<500x512xbf16>, vector<512x512xf32> -> vector<512x512xf32>
    %add3A_250 = arith.addf %add3A_229, %dot_general3A_249 : vector<512x512xf32>
    %get3A_251 = arith.constant 6000 : index
    %get3A_252 = arith.constant 0 : index
    %get3A_253 = vector.load %arg5[%get3A_251, %get3A_252] : memref<8000x1xi32, #tpu.memory_space<vmem>>, vector<500x1xi32>
    %get3A_254 = arith.constant 6000 : index
    %get3A_255 = arith.constant 0 : index
    %get3A_256 = vector.load %arg6[%get3A_254, %get3A_255] : memref<8000x1xi32, #tpu.memory_space<vmem>>, vector<500x1xi32>
    %broadcast_in_dim3A_257 = vector.shape_cast %get3A_253 : vector<500x1xi32> to vector<500x1xi32>
    %broadcast_in_dim3A_258 = vector.broadcast %broadcast_in_dim3A_257 : vector<500x1xi32> to vector<500x512xi32>
    %eq3A_259 = arith.cmpi eq, %broadcast_in_dim3A_258, %iota3A : vector<500x512xi32>
    %convert_element_type3A_260 = arith.extui %eq3A_259 : vector<500x512xi1> to vector<500x512xi32>
    %convert_element_type3A_261 = arith.sitofp %convert_element_type3A_260 : vector<500x512xi32> to vector<500x512xf32>
    %convert_element_type3A_262 = arith.truncf %convert_element_type3A_261 : vector<500x512xf32> to vector<500x512xbf16>
    %broadcast_in_dim3A_263 = vector.shape_cast %get3A_256 : vector<500x1xi32> to vector<500x1xi32>
    %broadcast_in_dim3A_264 = vector.broadcast %broadcast_in_dim3A_263 : vector<500x1xi32> to vector<500x512xi32>
    %eq3A_265 = arith.cmpi eq, %broadcast_in_dim3A_264, %iota3A : vector<500x512xi32>
    %convert_element_type3A_266 = arith.extui %eq3A_265 : vector<500x512xi1> to vector<500x512xi32>
    %convert_element_type3A_267 = arith.sitofp %convert_element_type3A_266 : vector<500x512xi32> to vector<500x512xf32>
    %convert_element_type3A_268 = arith.truncf %convert_element_type3A_267 : vector<500x512xf32> to vector<500x512xbf16>
    %dot_general3A_269 = arith.constant dense<0.000000e+00> : vector<512x512xf32>
    %dot_general3A_270 = tpu.matmul %convert_element_type3A_268, %convert_element_type3A_262, %dot_general3A_269 {dimension_numbers = #tpu.dot_dimension_numbers<[0], [0], [1], [1], [0, 1, 1, 1], [], []>, transpose_lhs_hint = false} : vector<500x512xbf16>, vector<500x512xbf16>, vector<512x512xf32> -> vector<512x512xf32>
    %add3A_271 = arith.addf %add3A_250, %dot_general3A_270 : vector<512x512xf32>
    %get3A_272 = arith.constant 6500 : index
    %get3A_273 = arith.constant 0 : index
    %get3A_274 = vector.load %arg5[%get3A_272, %get3A_273] : memref<8000x1xi32, #tpu.memory_space<vmem>>, vector<500x1xi32>
    %get3A_275 = arith.constant 6500 : index
    %get3A_276 = arith.constant 0 : index
    %get3A_277 = vector.load %arg6[%get3A_275, %get3A_276] : memref<8000x1xi32, #tpu.memory_space<vmem>>, vector<500x1xi32>
    %broadcast_in_dim3A_278 = vector.shape_cast %get3A_274 : vector<500x1xi32> to vector<500x1xi32>
    %broadcast_in_dim3A_279 = vector.broadcast %broadcast_in_dim3A_278 : vector<500x1xi32> to vector<500x512xi32>
    %eq3A_280 = arith.cmpi eq, %broadcast_in_dim3A_279, %iota3A : vector<500x512xi32>
    %convert_element_type3A_281 = arith.extui %eq3A_280 : vector<500x512xi1> to vector<500x512xi32>
    %convert_element_type3A_282 = arith.sitofp %convert_element_type3A_281 : vector<500x512xi32> to vector<500x512xf32>
    %convert_element_type3A_283 = arith.truncf %convert_element_type3A_282 : vector<500x512xf32> to vector<500x512xbf16>
    %broadcast_in_dim3A_284 = vector.shape_cast %get3A_277 : vector<500x1xi32> to vector<500x1xi32>
    %broadcast_in_dim3A_285 = vector.broadcast %broadcast_in_dim3A_284 : vector<500x1xi32> to vector<500x512xi32>
    %eq3A_286 = arith.cmpi eq, %broadcast_in_dim3A_285, %iota3A : vector<500x512xi32>
    %convert_element_type3A_287 = arith.extui %eq3A_286 : vector<500x512xi1> to vector<500x512xi32>
    %convert_element_type3A_288 = arith.sitofp %convert_element_type3A_287 : vector<500x512xi32> to vector<500x512xf32>
    %convert_element_type3A_289 = arith.truncf %convert_element_type3A_288 : vector<500x512xf32> to vector<500x512xbf16>
    %dot_general3A_290 = arith.constant dense<0.000000e+00> : vector<512x512xf32>
    %dot_general3A_291 = tpu.matmul %convert_element_type3A_289, %convert_element_type3A_283, %dot_general3A_290 {dimension_numbers = #tpu.dot_dimension_numbers<[0], [0], [1], [1], [0, 1, 1, 1], [], []>, transpose_lhs_hint = false} : vector<500x512xbf16>, vector<500x512xbf16>, vector<512x512xf32> -> vector<512x512xf32>
    %add3A_292 = arith.addf %add3A_271, %dot_general3A_291 : vector<512x512xf32>
    %get3A_293 = arith.constant 7000 : index
    %get3A_294 = arith.constant 0 : index
    %get3A_295 = vector.load %arg5[%get3A_293, %get3A_294] : memref<8000x1xi32, #tpu.memory_space<vmem>>, vector<500x1xi32>
    %get3A_296 = arith.constant 7000 : index
    %get3A_297 = arith.constant 0 : index
    %get3A_298 = vector.load %arg6[%get3A_296, %get3A_297] : memref<8000x1xi32, #tpu.memory_space<vmem>>, vector<500x1xi32>
    %broadcast_in_dim3A_299 = vector.shape_cast %get3A_295 : vector<500x1xi32> to vector<500x1xi32>
    %broadcast_in_dim3A_300 = vector.broadcast %broadcast_in_dim3A_299 : vector<500x1xi32> to vector<500x512xi32>
    %eq3A_301 = arith.cmpi eq, %broadcast_in_dim3A_300, %iota3A : vector<500x512xi32>
    %convert_element_type3A_302 = arith.extui %eq3A_301 : vector<500x512xi1> to vector<500x512xi32>
    %convert_element_type3A_303 = arith.sitofp %convert_element_type3A_302 : vector<500x512xi32> to vector<500x512xf32>
    %convert_element_type3A_304 = arith.truncf %convert_element_type3A_303 : vector<500x512xf32> to vector<500x512xbf16>
    %broadcast_in_dim3A_305 = vector.shape_cast %get3A_298 : vector<500x1xi32> to vector<500x1xi32>
    %broadcast_in_dim3A_306 = vector.broadcast %broadcast_in_dim3A_305 : vector<500x1xi32> to vector<500x512xi32>
    %eq3A_307 = arith.cmpi eq, %broadcast_in_dim3A_306, %iota3A : vector<500x512xi32>
    %convert_element_type3A_308 = arith.extui %eq3A_307 : vector<500x512xi1> to vector<500x512xi32>
    %convert_element_type3A_309 = arith.sitofp %convert_element_type3A_308 : vector<500x512xi32> to vector<500x512xf32>
    %convert_element_type3A_310 = arith.truncf %convert_element_type3A_309 : vector<500x512xf32> to vector<500x512xbf16>
    %dot_general3A_311 = arith.constant dense<0.000000e+00> : vector<512x512xf32>
    %dot_general3A_312 = tpu.matmul %convert_element_type3A_310, %convert_element_type3A_304, %dot_general3A_311 {dimension_numbers = #tpu.dot_dimension_numbers<[0], [0], [1], [1], [0, 1, 1, 1], [], []>, transpose_lhs_hint = false} : vector<500x512xbf16>, vector<500x512xbf16>, vector<512x512xf32> -> vector<512x512xf32>
    %add3A_313 = arith.addf %add3A_292, %dot_general3A_312 : vector<512x512xf32>
    %get3A_314 = arith.constant 7500 : index
    %get3A_315 = arith.constant 0 : index
    %get3A_316 = vector.load %arg5[%get3A_314, %get3A_315] : memref<8000x1xi32, #tpu.memory_space<vmem>>, vector<500x1xi32>
    %get3A_317 = arith.constant 7500 : index
    %get3A_318 = arith.constant 0 : index
    %get3A_319 = vector.load %arg6[%get3A_317, %get3A_318] : memref<8000x1xi32, #tpu.memory_space<vmem>>, vector<500x1xi32>
    %broadcast_in_dim3A_320 = vector.shape_cast %get3A_316 : vector<500x1xi32> to vector<500x1xi32>
    %broadcast_in_dim3A_321 = vector.broadcast %broadcast_in_dim3A_320 : vector<500x1xi32> to vector<500x512xi32>
    %eq3A_322 = arith.cmpi eq, %broadcast_in_dim3A_321, %iota3A : vector<500x512xi32>
    %convert_element_type3A_323 = arith.extui %eq3A_322 : vector<500x512xi1> to vector<500x512xi32>
    %convert_element_type3A_324 = arith.sitofp %convert_element_type3A_323 : vector<500x512xi32> to vector<500x512xf32>
    %convert_element_type3A_325 = arith.truncf %convert_element_type3A_324 : vector<500x512xf32> to vector<500x512xbf16>
    %broadcast_in_dim3A_326 = vector.shape_cast %get3A_319 : vector<500x1xi32> to vector<500x1xi32>
    %broadcast_in_dim3A_327 = vector.broadcast %broadcast_in_dim3A_326 : vector<500x1xi32> to vector<500x512xi32>
    %eq3A_328 = arith.cmpi eq, %broadcast_in_dim3A_327, %iota3A : vector<500x512xi32>
    %convert_element_type3A_329 = arith.extui %eq3A_328 : vector<500x512xi1> to vector<500x512xi32>
    %convert_element_type3A_330 = arith.sitofp %convert_element_type3A_329 : vector<500x512xi32> to vector<500x512xf32>
    %convert_element_type3A_331 = arith.truncf %convert_element_type3A_330 : vector<500x512xf32> to vector<500x512xbf16>
    %dot_general3A_332 = arith.constant dense<0.000000e+00> : vector<512x512xf32>
    %dot_general3A_333 = tpu.matmul %convert_element_type3A_331, %convert_element_type3A_325, %dot_general3A_332 {dimension_numbers = #tpu.dot_dimension_numbers<[0], [0], [1], [1], [0, 1, 1, 1], [], []>, transpose_lhs_hint = false} : vector<500x512xbf16>, vector<500x512xbf16>, vector<512x512xf32> -> vector<512x512xf32>
    %add3A_334 = arith.addf %add3A_313, %dot_general3A_333 : vector<512x512xf32>
    %iota3A_335 = tpu.iota {dimensions = array<i32: 0>} : vector<512x512xi32>
    %iota3A_336 = tpu.iota {dimensions = array<i32: 1>} : vector<512x512xi32>
    %eq3A_337 = arith.cmpi eq, %iota3A_335, %iota3A_336 : vector<512x512xi32>
    %lt3A = arith.constant 500 : i32
    %lt3A_338 = vector.broadcast %lt3A : i32 to vector<512x512xi32>
    %lt3A_339 = arith.cmpi slt, %iota3A_335, %lt3A_338 : vector<512x512xi32>
    %and3A = arith.andi %eq3A_337, %lt3A_339 : vector<512x512xi1>
    %jit3A = arith.constant 1.000000e+00 : f32
    %jit3A_340 = arith.constant 0.000000e+00 : f32
    %broadcast_in_dim3A_341 = vector.broadcast %jit3A : f32 to vector<512x512xf32>
    %broadcast_in_dim3A_342 = vector.broadcast %jit3A_340 : f32 to vector<512x512xf32>
    %select_n3A = arith.select %and3A, %broadcast_in_dim3A_341, %broadcast_in_dim3A_342 : vector<512x512xi1>, vector<512x512xf32>
    %add3A_343 = arith.addf %add3A_334, %select_n3A : vector<512x512xf32>
    %get3A_344 = arith.constant 0 : index
    %get3A_345 = arith.constant 0 : index
    %get3A_346 = vector.load %arg1[%get3A_344, %get3A_345] : memref<396x396xf32, #tpu.memory_space<vmem>>, vector<396x396xf32>
    %dot_general3A_347 = arith.constant dense<0.000000e+00> : vector<512x396xf32>
    %dot_general3A_348 = tpu.matmul %get3A_1, %get3A_346, %dot_general3A_347 {dimension_numbers = #tpu.dot_dimension_numbers<[1], [0], [0], [1], [0, 0, 1, 1], [], []>, transpose_lhs_hint = false} : vector<512x396xf32>, vector<396x396xf32>, vector<512x396xf32> -> vector<512x396xf32>
    %get3A_349 = arith.constant 0 : index
    %get3A_350 = arith.constant 0 : index
    %get3A_351 = vector.load %arg2[%get3A_349, %get3A_350] : memref<1x396xf32, #tpu.memory_space<vmem>>, vector<1x396xf32>
    %dot_general3A_352 = arith.constant dense<0.000000e+00> : vector<1x512xf32>
    %dot_general3A_353 = tpu.matmul %get3A_351, %dot_general3A_348, %dot_general3A_352 {dimension_numbers = #tpu.dot_dimension_numbers<[1], [1], [0], [0], [0, 0, 1, 0], [], []>, transpose_lhs_hint = false} : vector<1x396xf32>, vector<512x396xf32>, vector<1x512xf32> -> vector<1x512xf32>
    %get3A_354 = arith.constant 0 : index
    %get3A_355 = arith.constant 0 : index
    %get3A_356 = vector.load %arg3[%get3A_354, %get3A_355] : memref<1x396xf32, #tpu.memory_space<vmem>>, vector<1x396xf32>
    %dot_general3A_357 = arith.constant dense<0.000000e+00> : vector<512x1xf32>
    %dot_general3A_358 = tpu.matmul %dot_general3A_348, %get3A_356, %dot_general3A_357 {dimension_numbers = #tpu.dot_dimension_numbers<[1], [1], [0], [0], [0, 0, 1, 0], [], []>, transpose_lhs_hint = false} : vector<512x396xf32>, vector<1x396xf32>, vector<512x1xf32> -> vector<512x1xf32>
    %add3A_359 = vector.broadcast %dot_general3A_358 : vector<512x1xf32> to vector<512x512xf32>
    %add3A_360 = vector.broadcast %dot_general3A_353 : vector<1x512xf32> to vector<512x512xf32>
    %add3A_361 = arith.addf %add3A_359, %add3A_360 : vector<512x512xf32>
    %ge3A = arith.constant 0.000000e+00 : f32
    %ge3A_362 = vector.broadcast %ge3A : f32 to vector<512x512xf32>
    %ge3A_363 = arith.cmpf oge, %add3A_361, %ge3A_362 : vector<512x512xf32>
    %mul3A = arith.constant 2.000000e-01 : f32
    %mul3A_364 = vector.broadcast %mul3A : f32 to vector<512x512xf32>
    %mul3A_365 = arith.mulf %mul3A_364, %add3A_361 : vector<512x512xf32>
    %select_n3A_366 = arith.select %ge3A_363, %add3A_361, %mul3A_365 : vector<512x512xi1>, vector<512x512xf32>
    %gt3A = arith.constant 0.000000e+00 : f32
    %gt3A_367 = vector.broadcast %gt3A : f32 to vector<512x512xf32>
    %gt3A_368 = arith.cmpf ogt, %add3A_343, %gt3A_367 : vector<512x512xf32>
    %jit3A_369 = arith.constant -1.000000e+30 : f32
    %broadcast_in_dim3A_370 = vector.broadcast %jit3A_369 : f32 to vector<512x512xf32>
    %select_n3A_371 = arith.select %gt3A_368, %select_n3A_366, %broadcast_in_dim3A_370 : vector<512x512xi1>, vector<512x512xf32>
    %reduce_max3A = arith.constant dense<0xFF800000> : vector<512xf32>
    %reduce_max3A_372 = vector.multi_reduction <maximumf>, %select_n3A_371, %reduce_max3A [1] : vector<512x512xf32> to vector<512xf32>
    %broadcast_in_dim3A_373 = vector.shape_cast %reduce_max3A_372 : vector<512xf32> to vector<512x1xf32>
    %gt3A_374 = arith.constant -1.000000e+29 : f32
    %gt3A_375 = vector.broadcast %gt3A_374 : f32 to vector<512x1xf32>
    %gt3A_376 = arith.cmpf ogt, %broadcast_in_dim3A_373, %gt3A_375 : vector<512x1xf32>
    %jit3A_377 = arith.constant 0.000000e+00 : f32
    %broadcast_in_dim3A_378 = vector.broadcast %jit3A_377 : f32 to vector<512x1xf32>
    %select_n3A_379 = arith.select %gt3A_376, %broadcast_in_dim3A_373, %broadcast_in_dim3A_378 : vector<512x1xi1>, vector<512x1xf32>
    %sub3A = vector.broadcast %select_n3A_379 : vector<512x1xf32> to vector<512x512xf32>
    %sub3A_380 = arith.subf %select_n3A_366, %sub3A : vector<512x512xf32>
    %exp3A = math.exp %sub3A_380 : vector<512x512xf32>
    %mul3A_381 = arith.mulf %add3A_343, %exp3A : vector<512x512xf32>
    %reduce_sum3A = arith.constant dense<0.000000e+00> : vector<512xf32>
    %reduce_sum3A_382 = vector.multi_reduction <add>, %mul3A_381, %reduce_sum3A [1] : vector<512x512xf32> to vector<512xf32>
    %broadcast_in_dim3A_383 = vector.shape_cast %reduce_sum3A_382 : vector<512xf32> to vector<512x1xf32>
    %max3A = arith.constant 1.000000e-16 : f32
    %max3A_384 = vector.broadcast %max3A : f32 to vector<512x1xf32>
    %max3A_385 = arith.maximumf %broadcast_in_dim3A_383, %max3A_384 : vector<512x1xf32>
    %div3A = vector.broadcast %max3A_385 : vector<512x1xf32> to vector<512x512xf32>
    %div3A_386 = arith.divf %mul3A_381, %div3A : vector<512x512xf32>
    %dot_general3A_387 = arith.constant dense<0.000000e+00> : vector<512x396xf32>
    %dot_general3A_388 = tpu.matmul %div3A_386, %dot_general3A_348, %dot_general3A_387 {dimension_numbers = #tpu.dot_dimension_numbers<[1], [0], [0], [1], [0, 0, 1, 1], [], []>, transpose_lhs_hint = false} : vector<512x512xf32>, vector<512x396xf32>, vector<512x396xf32> -> vector<512x396xf32>
    %get3A_389 = arith.constant 0 : index
    %get3A_390 = arith.constant 0 : index
    %get3A_391 = vector.load %arg4[%get3A_389, %get3A_390] : memref<1x396xf32, #tpu.memory_space<vmem>>, vector<1x396xf32>
    %add3A_392 = vector.broadcast %get3A_391 : vector<1x396xf32> to vector<512x396xf32>
    %add3A_393 = arith.addf %dot_general3A_388, %add3A_392 : vector<512x396xf32>
    %tanh3A = math.tanh %add3A_393 : vector<512x396xf32>
    %get3A_394 = arith.constant 0 : index
    %get3A_395 = arith.constant 0 : index
    %get3A_396 = vector.load %arg7[%get3A_394, %get3A_395] : memref<396x396xf32, #tpu.memory_space<vmem>>, vector<396x396xf32>
    %dot_general3A_397 = arith.constant dense<0.000000e+00> : vector<512x396xf32>
    %dot_general3A_398 = tpu.matmul %get3A_1, %get3A_396, %dot_general3A_397 {dimension_numbers = #tpu.dot_dimension_numbers<[1], [0], [0], [1], [0, 0, 1, 1], [], []>, transpose_lhs_hint = false} : vector<512x396xf32>, vector<396x396xf32>, vector<512x396xf32> -> vector<512x396xf32>
    %get3A_399 = arith.constant 0 : index
    %get3A_400 = arith.constant 0 : index
    %get3A_401 = vector.load %arg8[%get3A_399, %get3A_400] : memref<396x396xf32, #tpu.memory_space<vmem>>, vector<396x396xf32>
    %dot_general3A_402 = arith.constant dense<0.000000e+00> : vector<512x396xf32>
    %dot_general3A_403 = tpu.matmul %tanh3A, %get3A_401, %dot_general3A_402 {dimension_numbers = #tpu.dot_dimension_numbers<[1], [0], [0], [1], [0, 0, 1, 1], [], []>, transpose_lhs_hint = false} : vector<512x396xf32>, vector<396x396xf32>, vector<512x396xf32> -> vector<512x396xf32>
    %add3A_404 = arith.addf %dot_general3A_398, %dot_general3A_403 : vector<512x396xf32>
    %get3A_405 = arith.constant 0 : index
    %get3A_406 = arith.constant 0 : index
    %get3A_407 = vector.load %arg9[%get3A_405, %get3A_406] : memref<1x396xf32, #tpu.memory_space<vmem>>, vector<1x396xf32>
    %add3A_408 = vector.broadcast %get3A_407 : vector<1x396xf32> to vector<512x396xf32>
    %add3A_409 = arith.addf %add3A_404, %add3A_408 : vector<512x396xf32>
    %swap3A = arith.constant 0 : index
    %swap3A_410 = arith.constant 0 : index
    %swap3A_411 = vector.load %arg10[%swap3A, %swap3A_410] : memref<512x396xf32, #tpu.memory_space<vmem>>, vector<512x396xf32>
    tpu.vector_store %arg10[%swap3A, %swap3A_410], %add3A_409 {strides = array<i32>} : memref<512x396xf32, #tpu.memory_space<vmem>>, vector<512x396xf32>,
    return
  }
}

</mosaic_0001>

<sc_bundles>
// kernel: kernel.12.cloned.1.call-start
scs
__scs_entry_jumppad:
0x0: {  	(pc) =	sbr.rel $0x88, $3  }
0x1: {  	(tag) =	ssettag $0x0;
	lr =	simm.s32 $0x1  }
0x2: {  	[smem:$0x3F93] =	sst lr;
	_ =	strace $0xD0000000  }
0x3: {  	_ = 	snop  }
0x4: {  	_ = 	snop  }
0x5: {  	_ = 	snop  }
0x6: {  	_ = 	snop  }
0x7: {  	_ = 	snop  }
__scs_overlays_trampoline_lowered:
0x8: {  	[smem:$0x3FA2] =	sst s0  }
0x9: {  	[smem:$0x3FA3] =	sst s1  }
0xa: {  	[smem:$0x3FA4] =	sst s2  }
0xb: {  	[smem:$0x3FA5] =	sst s3  }
0xc: {  	[smem:$0x3FA6] =	sst s4  }
0xd: {  	[smem:$0x3FA7] =	sst s5  }
0xe: {  	[smem:$0x3FA8] =	sst s6  }
0xf: {  	[smem:$0x3FA9] =	sst s7  }
0x10: {  	[smem:$0x3FAA] =	sst s8  }
0x11: {  	[smem:$0x3FAB] =	sst s9;
	s0 =	simm.s32 @!p0 $0x0  }
0x12: {  	s1 =	sld [smem:$0x3F91];
	s0 =	simm.s32 @p0 $0x1  }
0x13: {  	[smem:$0x3FAC] =	sst s0;
	s0 =	simm.s32 @!p1 $0x0  }
0x14: {  	s2 =	sld [smem:$0x3F90];
	s0 =	simm.s32 @p1 $0x1  }
0x15: {  	[smem:$0x3FAD] =	sst s0;
	s0 =	simm.s32 @!p2 $0x0  }
0x16: {  	s3 =	sld [smem:$0x3FDB];
	s0 =	simm.s32 @p2 $0x1  }
0x17: {  	s4 =	simm.s32 $0x1BF5;
	[smem:$0x3FAF] =	sst s0  }
0x18: {  	s0 =	sld [smem:$0x3F92];
	_ =	swait.ge [sflag:s4], $0x0  }
0x19: {  	s7 =	sld [smem:$0x3F93]  }
0x1a: {  	s8 =	sadd.s32 $0xFFFFE003, lr  }
0x1b: {  	s9 =	sadd.s32 $0xFFFFFEF7, lr;
	s5 =	simm.s32 $0xFFFFFFFF;
	p2 =	slt.u32 s8, $0xFFFFF086  }
0x1c: {  	p1 =	slt.u32 s9, $0xF7A;
	s5 =	simm.s32 @!p2 $0x0  }
0x1d: {  	s5 =	simm.s32 @p1 $0x1;
	p0 =	seq.s32 s7, s2  }
0x1e: {  	s7 =	smul.u32 @!p0 $0xF7A, s2;
	p2 =	seq.s32 @!p0 s5, $0x0  }
0x1f: {  	s9 =	smul.u32 $0xF7A, s1;
	s8 =	simm.s32 @!p0 $0x1BF5;
	p2 =	por !p2, p0  }
0x20: {  	[sflag:s8] =	ssyncset.s32 @!p0 $0xFFFFF086;
	s6 =	sadd.s32 @!p0 s3, s7;
	s7 =	simm.s32 @!p0 $0x108  }
0x21: {  	s3 =	sadd.s32 s3, s9;
	s6 =	sadd.s32 @!p0 $0x88, s6;
	s7 =	simm.s32 @p2 $0x1082  }
0x22: {  	[simem:s7], [sflag:s8] =	dma.local @!p0 [hbm:s6], $0xF7A  }
0x23: {  	s9 =	sor.u32 $0xD0000000, s2;
	s6 =	simm.s32 $0x108;
	_ =	swait.ge @!p0 [sflag:s8], $0x0  }
0x24: {  	s3 =	sadd.s32 $0x88, s3;
	s6 =	simm.s32 @!p1 $0x1082;
	[sflag:s4] =	ssyncset.s32 $0xFFFFF086  }
0x25: {  	[simem:s6], [sflag:s4] =	dma.local [hbm:s3], $0xF7A  }
0x26: {  	[smem:$0x3F93] =	sst s1;
	(tag) =	ssettag s2;
	_ =	strace s9  }
0x27: {  	s1 =	sld [smem:$0x3FA3]  }
0x28: {  	s2 =	sld [smem:$0x3FA4]  }
0x29: {  	s4 =	sld [smem:$0x3FA6]  }
0x2a: {  	p0 =	seq.s32 s5, $0x0;
	s5 =	sld [smem:$0x3FA7]  }
0x2b: {  	s6 =	sld [smem:$0x3FA8]  }
0x2c: {  	s7 =	sld [smem:$0x3FA9]  }
0x2d: {  	s3 =	simm.s32 $0x108;
	s8 =	sld [smem:$0x3FAA]  }
0x2e: {  	s3 =	simm.s32 @!p0 $0x1082;
	s9 =	sld [smem:$0x3FAB]  }
0x2f: {  	lr =	sadd.s32 s0, s3;
	s0 =	sld [smem:$0x3FA2]  }
0x30: {  	s3 =	sld [smem:$0x3FA5]  }
0x31: {  	[smem:$0x3FAE] =	sst s10  }
0x32: {  	s10 =	sld [smem:$0x3FAC];
	_ =	sdelay $0x3  }
0x33: {  	p0 =	seq.s32 s10, $0x1;
	s10 =	sld [smem:$0x3FAE];
	_ =	sdelay $0x3  }
0x34: {  	[smem:$0x3FAE] =	sst s10  }
0x35: {  	s10 =	sld [smem:$0x3FAD];
	_ =	sdelay $0x3  }
0x36: {  	p1 =	seq.s32 s10, $0x1;
	s10 =	sld [smem:$0x3FAE];
	_ =	sdelay $0x3  }
0x37: {  	[smem:$0x3FAE] =	sst s10  }
0x38: {  	s10 =	sld [smem:$0x3FAF]  }
0x39: {  	_ = 	snop;
	(pc) =	sbr.ind lr, $3  }
0x3a: {  	_ = 	snop  }
0x3b: {  	_ = 	snop  }
0x3c: {  	p2 =	seq.s32 s10, $0x1;
	s10 =	sld [smem:$0x3FAE]  }
0x3d: {  	_ =	shalt  }
0x3e: {  	_ =	shalt  }
0x3f: {  	_ =	shalt  }
0x40: {  	_ =	shalt  }
0x41: {  	_ =	shalt  }
0x42: {  	_ =	shalt  }
0x43: {  	_ =	shalt  }
0x44: {  	_ =	shalt  }
0x45: {  	_ =	shalt  }
0x46: {  	_ =	shalt  }
0x47: {  	_ =	shalt  }
0x48: {  	_ =	shalt  }
0x49: {  	_ =	shalt  }
0x4a: {  	_ =	shalt  }
0x4b: {  	_ =	shalt  }
0x4c: {  	_ =	shalt  }
0x4d: {  	_ =	shalt  }
0x4e: {  	_ =	shalt  }
0x4f: {  	_ =	shalt  }
0x50: {  	_ =	shalt  }
0x51: {  	_ =	shalt  }
0x52: {  	_ =	shalt  }
0x53: {  	_ =	shalt  }
0x54: {  	_ =	shalt  }
0x55: {  	_ =	shalt  }
0x56: {  	_ =	shalt  }
0x57: {  	_ =	shalt  }
0x58: {  	_ =	shalt  }
0x59: {  	_ =	shalt  }
0x5a: {  	_ =	shalt  }
0x5b: {  	_ =	shalt  }
0x5c: {  	_ =	shalt  }
0x5d: {  	_ =	shalt  }
0x5e: {  	_ =	shalt  }
0x5f: {  	_ =	shalt  }
0x60: {  	_ =	shalt  }
0x61: {  	_ =	shalt  }
0x62: {  	_ =	shalt  }
0x63: {  	_ =	shalt  }
0x64: {  	_ =	shalt  }
0x65: {  	_ =	shalt  }
0x66: {  	_ =	shalt  }
0x67: {  	_ =	shalt  }
0x68: {  	_ =	shalt  }
0x69: {  	_ =	shalt  }
0x6a: {  	_ =	shalt  }
0x6b: {  	_ =	shalt  }
0x6c: {  	_ =	shalt  }
0x6d: {  	_ =	shalt  }
0x6e: {  	_ =	shalt  }
0x6f: {  	_ =	shalt  }
0x70: {  	_ =	shalt  }
0x71: {  	_ =	shalt  }
0x72: {  	_ =	shalt  }
0x73: {  	_ =	shalt  }
0x74: {  	_ =	shalt  }
0x75: {  	_ =	shalt  }
0x76: {  	_ =	shalt  }
0x77: {  	_ =	shalt  }
0x78: {  	_ =	shalt  }
0x79: {  	_ =	shalt  }
0x7a: {  	_ =	shalt  }
0x7b: {  	_ =	shalt  }
0x7c: {  	_ =	shalt  }
0x7d: {  	_ =	shalt  }
0x7e: {  	_ =	shalt  }
0x7f: {  	_ =	shalt  }
0x80: {  	_ =	shalt  }
0x81: {  	_ =	shalt  }
0x82: {  	_ =	shalt  }
0x83: {  	_ =	shalt  }
0x84: {  	_ =	shalt  }
0x85: {  	_ =	shalt  }
0x86: {  	_ =	shalt  }
0x87: {  	_ =	shalt  }
.Lfunc_end0:
.L_simem_size_0:
called_computation.1_lowered:
.L_overlay_start_0:
0x88: {  	s2 =	sld [smem:$0x3FD9]  }
0x89: {  	s3 =	sld [smem:$0x3FFE];
	_ =	sdelay $0x1  }
0x8a: {  	s1 =	srdreg.scid  }
0x8b: {  	s0 =	sand.u32 $0x1, s1  }
0x8c: {  	s16 =	sshll.u32 s0, $0xA;
	s2 =	sadd.s32 s3, s2  }
0x8d: {  	s2 =	sadd.s32 s2, s16  }
0x8e: {  	[smem:$0x3FBA] =	sst s2  }
0x8f: {  	_ = 	snop  }
0x90: {  	(tm) =	ssettm $0x1  }
0x91: {  	s17 =	sld [smem:$0x3FFB];
	_ =	sdelay $0x3  }
0x92: {  	_ =	strace s17  }
0x93: {  	s2 =	sld [smem:$0x3FFC];
	_ =	sdelay $0x3  }
0x94: {  	_ =	strace s2  }
0x95: {  	s2 =	sld [smem:$0x3FFD];
	_ =	sdelay $0x3  }
0x96: {  	_ =	strace s2  }
0x97: {  	_ =	strace $0x8FFFFFFF  }
0x98: {  	s18 =	sld [smem:$0x3FDB];
	_ =	sdelay $0x1  }
0x99: {  	s19 =	simm.s32 $_scs_section_size  }
0x9a: {  	s4 =	simm.s32 $_size__tile_overlayer_lowered;
	s5 =	simm.s32 $_tile_overlayer_lowered  }
0x9b: {  	s22 =	simm.s32 $0x1BFF;
	s21 =	sshll.u32 s5, $0x1;
	s2 =	sadd.s32 s19, s18  }
0x9c: {  	s6 =	simm.s32 $0x0;
	s20 =	sshll.u32 s4, $0x1;
	s4 =	sadd.s32 s21, s2  }
0x9d: {  	[timem:s6], [sflag:s22] =	dma.local [hbm:s4], s20  }
0x9e: {  	_ =	swait.ge [sflag:s22], s20  }
0x9f: {  	s3 =	ssub.s32 $0x0, s20;
	[sflag:s22] =	ssyncset.done $0x0  }
0xa0: {  	[sflag:s22] =	ssyncadd.s32 s3;
	_ =	sdelay $0x1  }
0xa1: {  	s23 =	simm.s32 $0x1B8B  }
0xa2: {  	_ =	swait.ge [sflag:s23], $0x1  }
0xa3: {  	[sflag:s23] =	ssyncset.done $0x0  }
0xa4: {  	s25 =	simm.s32 $0x1B8E;
	s24 =	sld [smem:$0x3FFE];
	[sflag:s23] =	ssyncadd.s32 $0xFFFFFFFF  }
0xa5: {  	s26 =	simm.s32 $execute0_lowered;
	[smem:$0x3FD2] =	sst s25  }
0xa6: {  	s4 =	sshll.u32 s26, $0x1;
	_ =	strace $0x80000049;
	[dreg:$0x1] =	wrdreg $0xFFFFFFFF  }
0xa7: {  	s28 =	simm.s32 $_size_execute0_lowered;
	s2 =	sadd.s32 s2, s4;
	[dreg:$0x0] =	wrdreg $0x0  }
0xa8: {  	s4 =	sshll.u32 s28, $0x1;
	[dreg:$0x2] =	wrdreg s2  }
0xa9: {  	[dreg:$0x3] =	wrdreg s4  }
0xaa: {  	[dreg:$0x4] =	wrdreg $0xC0  }
0xab: {  	_ =	task [dreg:s6], $0x5FFFF  }
0xac: {  	[dreg:$0x1] =	wrdreg $0xFFFFFFFF  }
0xad: {  	[dreg:$0x0] =	wrdreg $0x60  }
0xae: {  	[dreg:$0x2] =	wrdreg s24  }
0xaf: {  	[dreg:$0x3] =	wrdreg $0x0  }
0xb0: {  	[dreg:$0x4] =	wrdreg $0x9  }
0xb1: {  	_ =	task.clear_ibuf [dreg:s6], $0x5FFFF;
	_ =	strace $0x90000049  }
0xb2: {  	s29 =	simm.s32 $0x9;
	_ =	strace $0x8000004B  }
0xb3: {  	_ =	swait.ge [sflag:s29], $0x1  }
0xb4: {  	[sflag:s29] =	ssyncadd.s32 $0xFFFFFFFF  }
0xb5: {  	_ =	strace $0x9000004B  }
0xb6: {  	_ =	sfence  }
0xb7: {  	s30 =	sld [smem:$0x0];
	_ =	sdelay $0x2  }
0xb8: {  	s31 =	sshll.u32 s1, $0xD;
	s1 =	sshrl.u32 s1, $0x2  }
0xb9: {  	s3 =	sand.u32 $0x4000, s31;
	s1 =	sadd.s32 s1, s30  }
0xba: {  	s0 =	sor.u32 s3, s0;
	s1 =	sshll.u32 s1, $0x11  }
0xbb: {  	s0 =	sor.u32 s1, s0  }
0xbc: {  	s0 =	sadd.s32 $0x8F2B, s0  }
0xbd: {  	[sflag:s0] =	ssyncadd.remote.s32 $0x1  }
0xbe: {  	_ =	sfence.sel $0xFFFF  }
0xbf: {  	[dreg:$0x0] =	wrdreg $0xFFFFFFFF;
	(pc) =	sbr.abs _section_cstart, $3  }
0xc0: {  	[dreg:$0x1] =	wrdreg $0xFFFFFFFF  }
0xc1: {  	_ =	task.clear_ibuf [dreg:s6], $0x2FFFF;
	_ =	strace $0x9FFFFFFF  }
0xc2: {  	(tm) =	ssettm $0x7FFFFFFF  }
0xc3: {  	_ =	shalt  }
tec
execute0_lowered:
.L_overlay_start_1:
0x0: {  	(tag) =	ssettag $0x1  }
0x1: {  	s5 =	rddreg [dreg:$0x0]  }
0x2: {  	s2 =	rddreg [dreg:$0x1]  }
0x3: {  	s0 =	rddreg [dreg:$0x2]  }
0x4: {  	s1 =	stileid.u32;
	s4 =	srdreg.scid  }
0x5: {  	s3 =	simm.s32 $0x0;
	s13 =	simm.s32 $0x2;
	s14 =	simm.s32 $0x14000  }
0x6: {  	s15 =	simm.s32 $0x14080;
	s16 =	simm.s32 $0x80;
	s6 =	smul.u32 $0x3C, s1  }
0x7: {  	s17 =	simm.s32 $0x14100;
	s7 =	sand.u32 $0x1, s4;
	s4 =	smul.u32 $0x62, s1  }
0x8: {  	s18 =	simm.s32 $0x1;
	s19 =	simm.s32 $0x0;
	s8 =	smul.u32 $0x14000, s1  }
0x9: {  	[smem:$0x7FF] =	sst s3;
	s29 =	smul.u32 $0x50000, s1;
	s31 =	sshll.u32 s1, $0x6  }
0xa: {  	p0 =	seq.s32 s7, $0x0;
	_ =	strace $0x8000004A;
	s9 =	smul.u32 $0x140000, s7  }
0xb: {  	s7 =	ssub.s32 $0x2, s7;
	s6 =	sadd.s32 $0x620, s6;
	s28 =	sshrl.u32 s8, $0x3  }
0xc: {  	s10 =	sshrl.u32 s7, $0x1;
	s30 =	sshrl.u32 s29, $0x2;
	s6 =	smov.u32 @p0 s4  }
0xd: {  	s4 =	sadd.s32 $0xB7800, s5;
	s8 =	sadd.s32 s8, s9;
	s10 =	ssub.s32 s7, s10  }
0xe: {  	s12 =	sadd.s32 s30, s2;
	s7 =	sor.u32 $0x1C02, s31;
	s6 =	sshll.u32 s6, $0x4  }
0xf: {  	s8 =	sshrl.u32 s8, $0x3;
	s9 =	smax.u32 s10, $0x1;
	s11 =	sadd.s32 s6, s5  }
0x10: {  	s6 =	sadd.s32 s28, s5;
	s8 =	sadd.s32 s8, s5;
	s5 =	simm.s32 $0x62  }
0x11: {  	s12 =	sshrl.u32 s12, $0x3;
	s6 =	sadd.s32 $0xDF800, s6;
	s5 =	simm.s32 @!p0 $0x3C  }
0x12: {  	s8 =	sadd.s32 $0x107800, s8;
	s10 =	sadd.s32 $0x3400, s11;
	s11 =	sadd.s32 $0x5DA00, s11  }
.LBB2_1:
0x13: {  	[spmem:s12], [sflag:s7] =	dma.local [hbm:s6], $0x2800  }
0x14: {  	_ =	swait.ge [sflag:s13], $0x2800  }
0x15: {  	[sflag:s13] =	ssyncset.done $0x0  }
0x16: {  	[sflag:s13] =	ssyncadd.s32 $0xFFFFD800  }
0x17: {  	[bflag:$0x0] =	sbarrier.arrive $0xFFFF  }
0x18: {  	[tilespmem:s14], [sflag:$0x2] =	stream.linear.gather [hbm4b:s11+s3], $0x80, $0x38;
	[tilespmem:$0x18100] =	vst v63  }
0x19: {  	_ =	swait.ge [sflag:s13], $0x80  }
0x1a: {  	[sflag:s13] =	ssyncset.done $0x0  }
0x1b: {  	[sflag:s13] =	ssyncadd.s32 $0xFFFFFF80  }
0x1c: {  	[tilespmem:s15], [sflag:$0x2] =	stream.linear.gather [hbm4b:s10+s3], $0x80, $0x38;
	[tilespmem:$0x18100] =	vst v63  }
0x1d: {  	_ =	swait.ge [sflag:s13], $0x80  }
0x1e: {  	[sflag:s13] =	ssyncset.done $0x0  }
0x1f: {  	[sflag:s13] =	ssyncadd.s32 $0xFFFFFF80  }
0x20: {  	[tilespmem:s17], [sflag:$0x1] =	stream.indirect.gather [hbm4b:s4+s16], $0x80, s14, s16, $0xb8;
	[tilespmem:$0x18100] =	vst v63  }
0x21: {  	p0 =	sne.s32 s5, $0x1;
	_ =	swait.ge [sflag:s18], $0x4000  }
.Ltmp0:
0x22: {  	[sflag:s18] =	ssyncset.done $0x0;
	(pc) =	sbr.rel @!p0 .LBB2_3-.Ltmp0, $4  }
0x23: {  	[sflag:s18] =	ssyncadd.s32 $0xFFFFC000  }
0x24: {  	[spmem:s2] =	stream.indirect.scatter.add.f32 [tilespmem:s17], [sflag:$0x2], $0x80, s15, s16, $0xb8;
	[tilespmem:$0x18100] =	vst v63  }
0x25: {  	s20 =	sadd.s32 $0xFFFFFFFF, s5;
	_ =	swait.ge [sflag:s13], $0x4000  }
0x26: {  	s21 =	smov.u32 s10;
	s22 =	smov.u32 s11;
	[sflag:s13] =	ssyncset.done $0x0  }
.LBB2_2:
0x27: {  	[sflag:s13] =	ssyncadd.s32 $0xFFFFC000;
	s21 =	sadd.s32 $0x10, s21;
	s22 =	sadd.s32 $0x10, s22  }
0x28: {  	[tilespmem:s14], [sflag:$0x2] =	stream.linear.gather [hbm4b:s22+s3], $0x80, $0x38;
	[tilespmem:$0x18100] =	vst v63  }
0x29: {  	p0 =	sne.s32 s20, $0x1;
	s20 =	sadd.s32 $0xFFFFFFFF, s20;
	_ =	swait.ge [sflag:s13], $0x80  }
0x2a: {  	[sflag:s13] =	ssyncset.done $0x0  }
0x2b: {  	[sflag:s13] =	ssyncadd.s32 $0xFFFFFF80  }
0x2c: {  	[tilespmem:s15], [sflag:$0x2] =	stream.linear.gather [hbm4b:s21+s3], $0x80, $0x38;
	[tilespmem:$0x18100] =	vst v63  }
0x2d: {  	_ =	swait.ge [sflag:s13], $0x80  }
0x2e: {  	[sflag:s13] =	ssyncset.done $0x0  }
0x2f: {  	[sflag:s13] =	ssyncadd.s32 $0xFFFFFF80  }
0x30: {  	[tilespmem:s17], [sflag:$0x1] =	stream.indirect.gather [hbm4b:s4+s16], $0x80, s14, s16, $0xb8;
	[tilespmem:$0x18100] =	vst v63  }
0x31: {  	_ =	swait.ge [sflag:s18], $0x4000  }
.Ltmp1:
0x32: {  	[sflag:s18] =	ssyncset.done $0x0;
	(pc) =	sbr.rel @p0 .LBB2_2-.Ltmp1, $4  }
0x33: {  	[sflag:s18] =	ssyncadd.s32 $0xFFFFC000  }
0x34: {  	[spmem:s2] =	stream.indirect.scatter.add.f32 [tilespmem:s17], [sflag:$0x2], $0x80, s15, s16, $0xb8;
	[tilespmem:$0x18100] =	vst v63  }
0x35: {  	_ =	swait.ge [sflag:s13], $0x4000  }
0x36: {  	[sflag:s13] =	ssyncset.done $0x0  }
.LBB2_3:
0x37: {  	s19 =	sadd.s32 $0x1, s19  }
0x38: {  	[sflag:s13] =	ssyncadd.s32 $0xFFFFC000;
	p0 =	sne.s32 s19, s9  }
.Ltmp2:
0x39: {  	[bflag:$0x0] =	sbarrier.arrive $0xFFFF;
	(pc) =	sbr.rel @p0 .LBB2_1-.Ltmp2, $4  }
0x3a: {  	[hbm:s8], [sflag:s7] =	dma.local [spmem:s12], $0x2800  }
0x3b: {  	_ =	swait.ge [sflag:s13], $0x2800  }
0x3c: {  	[sflag:s13] =	ssyncset.done $0x0  }
0x3d: {  	[sflag:s13] =	ssyncadd.s32 $0xFFFFD800  }
0x3e: {  	_ =	sfence.sel $0x180000  }
0x3f: {  	[bflag:$0x0] =	sbarrier.arrive $0xFFFF  }
0x40: {  	p0 =	sne.s32 s1, $0x0;
	_ =	strace $0x9000004A  }
0x41: {  	s0 =	sadd.s32 @!p0 $0x100000, s0;
	[bflag:$0x2] =	sbarrier.arrive $0xFFFF  }
0x42: {  	[sflag:s0] =	ssyncadd.tile.s32 @!p0 $0x1;
	_ =	shalt  }
.Lfunc_end2:
_tile_overlayer_lowered:
.L_overlay_start_2:
0x43: {  	(tag) =	ssettag $0x2  }
0x44: {  	s0 =	rddreg [dreg:$0x0];
	s2 =	stileid.u32  }
0x45: {  	s1 =	rddreg [dreg:$0x1];
	p0 =	sne.s32 s2, $0x0  }
0x46: {  	s3 =	rddreg [dreg:$0x2];
	[bflag:$0x3] =	sbarrier.arrive $0xFFFF;
	s2 =	simm.s32 @!p0 $0x1C02  }
0x47: {  	[timem:s3], [sflag:s2] =	dma.local @!p0 [hbm:s0], s1  }
0x48: {  	s0 =	simm.s32 @!p0 $0x2  }
0x49: {  	_ =	swait.ge @!p0 [sflag:s0], s1  }
0x4a: {  	s1 =	ssub.s32 @!p0 $0x0, s1;
	[sflag:s0] =	ssyncset.done @!p0 $0x0  }
0x4b: {  	[sflag:s0] =	ssyncadd.s32 @!p0 s1  }
0x4c: {  	[bflag:$0x3] =	sbarrier.arrive $0xFFFF  }
0x4d: {  	_ =	shalt  }

// kernel: kernel.15.cloned.1.call-start
scs
__scs_entry_jumppad:
0x0: {  	(pc) =	sbr.rel $0x88, $3  }
0x1: {  	(tag) =	ssettag $0x0;
	lr =	simm.s32 $0x1  }
0x2: {  	[smem:$0x3F93] =	sst lr;
	_ =	strace $0xD0000000  }
0x3: {  	_ = 	snop  }
0x4: {  	_ = 	snop  }
0x5: {  	_ = 	snop  }
0x6: {  	_ = 	snop  }
0x7: {  	_ = 	snop  }
__scs_overlays_trampoline_lowered:
0x8: {  	[smem:$0x3FA2] =	sst s0  }
0x9: {  	[smem:$0x3FA3] =	sst s1  }
0xa: {  	[smem:$0x3FA4] =	sst s2  }
0xb: {  	[smem:$0x3FA5] =	sst s3  }
0xc: {  	[smem:$0x3FA6] =	sst s4  }
0xd: {  	[smem:$0x3FA7] =	sst s5  }
0xe: {  	[smem:$0x3FA8] =	sst s6  }
0xf: {  	[smem:$0x3FA9] =	sst s7  }
0x10: {  	[smem:$0x3FAA] =	sst s8  }
0x11: {  	[smem:$0x3FAB] =	sst s9;
	s0 =	simm.s32 @!p0 $0x0  }
0x12: {  	s1 =	sld [smem:$0x3F91];
	s0 =	simm.s32 @p0 $0x1  }
0x13: {  	[smem:$0x3FAC] =	sst s0;
	s0 =	simm.s32 @!p1 $0x0  }
0x14: {  	s2 =	sld [smem:$0x3F90];
	s0 =	simm.s32 @p1 $0x1  }
0x15: {  	[smem:$0x3FAD] =	sst s0;
	s0 =	simm.s32 @!p2 $0x0  }
0x16: {  	s3 =	sld [smem:$0x3FDB];
	s0 =	simm.s32 @p2 $0x1  }
0x17: {  	s4 =	simm.s32 $0x1BF5;
	[smem:$0x3FAF] =	sst s0  }
0x18: {  	s0 =	sld [smem:$0x3F92];
	_ =	swait.ge [sflag:s4], $0x0  }
0x19: {  	s7 =	sld [smem:$0x3F93]  }
0x1a: {  	s8 =	sadd.s32 $0xFFFFE003, lr  }
0x1b: {  	s9 =	sadd.s32 $0xFFFFFEF7, lr;
	s5 =	simm.s32 $0xFFFFFFFF;
	p2 =	slt.u32 s8, $0xFFFFF086  }
0x1c: {  	p1 =	slt.u32 s9, $0xF7A;
	s5 =	simm.s32 @!p2 $0x0  }
0x1d: {  	s5 =	simm.s32 @p1 $0x1;
	p0 =	seq.s32 s7, s2  }
0x1e: {  	s7 =	smul.u32 @!p0 $0xF7A, s2;
	p2 =	seq.s32 @!p0 s5, $0x0  }
0x1f: {  	s9 =	smul.u32 $0xF7A, s1;
	s8 =	simm.s32 @!p0 $0x1BF5;
	p2 =	por !p2, p0  }
0x20: {  	[sflag:s8] =	ssyncset.s32 @!p0 $0xFFFFF086;
	s6 =	sadd.s32 @!p0 s3, s7;
	s7 =	simm.s32 @!p0 $0x108  }
0x21: {  	s3 =	sadd.s32 s3, s9;
	s6 =	sadd.s32 @!p0 $0x88, s6;
	s7 =	simm.s32 @p2 $0x1082  }
0x22: {  	[simem:s7], [sflag:s8] =	dma.local @!p0 [hbm:s6], $0xF7A  }
0x23: {  	s9 =	sor.u32 $0xD0000000, s2;
	s6 =	simm.s32 $0x108;
	_ =	swait.ge @!p0 [sflag:s8], $0x0  }
0x24: {  	s3 =	sadd.s32 $0x88, s3;
	s6 =	simm.s32 @!p1 $0x1082;
	[sflag:s4] =	ssyncset.s32 $0xFFFFF086  }
0x25: {  	[simem:s6], [sflag:s4] =	dma.local [hbm:s3], $0xF7A  }
0x26: {  	[smem:$0x3F93] =	sst s1;
	(tag) =	ssettag s2;
	_ =	strace s9  }
0x27: {  	s1 =	sld [smem:$0x3FA3]  }
0x28: {  	s2 =	sld [smem:$0x3FA4]  }
0x29: {  	s4 =	sld [smem:$0x3FA6]  }
0x2a: {  	p0 =	seq.s32 s5, $0x0;
	s5 =	sld [smem:$0x3FA7]  }
0x2b: {  	s6 =	sld [smem:$0x3FA8]  }
0x2c: {  	s7 =	sld [smem:$0x3FA9]  }
0x2d: {  	s3 =	simm.s32 $0x108;
	s8 =	sld [smem:$0x3FAA]  }
0x2e: {  	s3 =	simm.s32 @!p0 $0x1082;
	s9 =	sld [smem:$0x3FAB]  }
0x2f: {  	lr =	sadd.s32 s0, s3;
	s0 =	sld [smem:$0x3FA2]  }
0x30: {  	s3 =	sld [smem:$0x3FA5]  }
0x31: {  	[smem:$0x3FAE] =	sst s10  }
0x32: {  	s10 =	sld [smem:$0x3FAC];
	_ =	sdelay $0x3  }
0x33: {  	p0 =	seq.s32 s10, $0x1;
	s10 =	sld [smem:$0x3FAE];
	_ =	sdelay $0x3  }
0x34: {  	[smem:$0x3FAE] =	sst s10  }
0x35: {  	s10 =	sld [smem:$0x3FAD];
	_ =	sdelay $0x3  }
0x36: {  	p1 =	seq.s32 s10, $0x1;
	s10 =	sld [smem:$0x3FAE];
	_ =	sdelay $0x3  }
0x37: {  	[smem:$0x3FAE] =	sst s10  }
0x38: {  	s10 =	sld [smem:$0x3FAF]  }
0x39: {  	_ = 	snop;
	(pc) =	sbr.ind lr, $3  }
0x3a: {  	_ = 	snop  }
0x3b: {  	_ = 	snop  }
0x3c: {  	p2 =	seq.s32 s10, $0x1;
	s10 =	sld [smem:$0x3FAE]  }
0x3d: {  	_ =	shalt  }
0x3e: {  	_ =	shalt  }
0x3f: {  	_ =	shalt  }
0x40: {  	_ =	shalt  }
0x41: {  	_ =	shalt  }
0x42: {  	_ =	shalt  }
0x43: {  	_ =	shalt  }
0x44: {  	_ =	shalt  }
0x45: {  	_ =	shalt  }
0x46: {  	_ =	shalt  }
0x47: {  	_ =	shalt  }
0x48: {  	_ =	shalt  }
0x49: {  	_ =	shalt  }
0x4a: {  	_ =	shalt  }
0x4b: {  	_ =	shalt  }
0x4c: {  	_ =	shalt  }
0x4d: {  	_ =	shalt  }
0x4e: {  	_ =	shalt  }
0x4f: {  	_ =	shalt  }
0x50: {  	_ =	shalt  }
0x51: {  	_ =	shalt  }
0x52: {  	_ =	shalt  }
0x53: {  	_ =	shalt  }
0x54: {  	_ =	shalt  }
0x55: {  	_ =	shalt  }
0x56: {  	_ =	shalt  }
0x57: {  	_ =	shalt  }
0x58: {  	_ =	shalt  }
0x59: {  	_ =	shalt  }
0x5a: {  	_ =	shalt  }
0x5b: {  	_ =	shalt  }
0x5c: {  	_ =	shalt  }
0x5d: {  	_ =	shalt  }
0x5e: {  	_ =	shalt  }
0x5f: {  	_ =	shalt  }
0x60: {  	_ =	shalt  }
0x61: {  	_ =	shalt  }
0x62: {  	_ =	shalt  }
0x63: {  	_ =	shalt  }
0x64: {  	_ =	shalt  }
0x65: {  	_ =	shalt  }
0x66: {  	_ =	shalt  }
0x67: {  	_ =	shalt  }
0x68: {  	_ =	shalt  }
0x69: {  	_ =	shalt  }
0x6a: {  	_ =	shalt  }
0x6b: {  	_ =	shalt  }
0x6c: {  	_ =	shalt  }
0x6d: {  	_ =	shalt  }
0x6e: {  	_ =	shalt  }
0x6f: {  	_ =	shalt  }
0x70: {  	_ =	shalt  }
0x71: {  	_ =	shalt  }
0x72: {  	_ =	shalt  }
0x73: {  	_ =	shalt  }
0x74: {  	_ =	shalt  }
0x75: {  	_ =	shalt  }
0x76: {  	_ =	shalt  }
0x77: {  	_ =	shalt  }
0x78: {  	_ =	shalt  }
0x79: {  	_ =	shalt  }
0x7a: {  	_ =	shalt  }
0x7b: {  	_ =	shalt  }
0x7c: {  	_ =	shalt  }
0x7d: {  	_ =	shalt  }
0x7e: {  	_ =	shalt  }
0x7f: {  	_ =	shalt  }
0x80: {  	_ =	shalt  }
0x81: {  	_ =	shalt  }
0x82: {  	_ =	shalt  }
0x83: {  	_ =	shalt  }
0x84: {  	_ =	shalt  }
0x85: {  	_ =	shalt  }
0x86: {  	_ =	shalt  }
0x87: {  	_ =	shalt  }
.Lfunc_end0:
.L_simem_size_0:
called_computation.2_lowered:
.L_overlay_start_0:
0x88: {  	s2 =	sld [smem:$0x3FD9]  }
0x89: {  	s3 =	sld [smem:$0x3FFE];
	_ =	sdelay $0x1  }
0x8a: {  	s1 =	srdreg.scid  }
0x8b: {  	s0 =	sand.u32 $0x1, s1  }
0x8c: {  	s16 =	sshll.u32 s0, $0xA;
	s2 =	sadd.s32 s3, s2  }
0x8d: {  	s2 =	sadd.s32 s2, s16  }
0x8e: {  	[smem:$0x3FBA] =	sst s2  }
0x8f: {  	_ = 	snop  }
0x90: {  	(tm) =	ssettm $0x1  }
0x91: {  	s17 =	sld [smem:$0x3FFB];
	_ =	sdelay $0x3  }
0x92: {  	_ =	strace s17  }
0x93: {  	s2 =	sld [smem:$0x3FFC];
	_ =	sdelay $0x3  }
0x94: {  	_ =	strace s2  }
0x95: {  	s2 =	sld [smem:$0x3FFD];
	_ =	sdelay $0x3  }
0x96: {  	_ =	strace s2  }
0x97: {  	_ =	strace $0x8FFFFFFF  }
0x98: {  	s18 =	sld [smem:$0x3FDB];
	_ =	sdelay $0x1  }
0x99: {  	s19 =	simm.s32 $_scs_section_size  }
0x9a: {  	s4 =	simm.s32 $_size__tile_overlayer_lowered;
	s5 =	simm.s32 $_tile_overlayer_lowered  }
0x9b: {  	s22 =	simm.s32 $0x1BFF;
	s21 =	sshll.u32 s5, $0x1;
	s2 =	sadd.s32 s19, s18  }
0x9c: {  	s6 =	simm.s32 $0x0;
	s20 =	sshll.u32 s4, $0x1;
	s4 =	sadd.s32 s21, s2  }
0x9d: {  	[timem:s6], [sflag:s22] =	dma.local [hbm:s4], s20  }
0x9e: {  	_ =	swait.ge [sflag:s22], s20  }
0x9f: {  	s3 =	ssub.s32 $0x0, s20;
	[sflag:s22] =	ssyncset.done $0x0  }
0xa0: {  	[sflag:s22] =	ssyncadd.s32 s3;
	_ =	sdelay $0x1  }
0xa1: {  	s23 =	simm.s32 $0x1B8B  }
0xa2: {  	_ =	swait.ge [sflag:s23], $0x1  }
0xa3: {  	[sflag:s23] =	ssyncset.done $0x0  }
0xa4: {  	s25 =	simm.s32 $0x1B8E;
	s24 =	sld [smem:$0x3FFE];
	[sflag:s23] =	ssyncadd.s32 $0xFFFFFFFF  }
0xa5: {  	s26 =	simm.s32 $execute0_lowered;
	[smem:$0x3FD2] =	sst s25  }
0xa6: {  	s4 =	sshll.u32 s26, $0x1;
	_ =	strace $0x8000004C;
	[dreg:$0x1] =	wrdreg $0xFFFFFFFF  }
0xa7: {  	s28 =	simm.s32 $_size_execute0_lowered;
	s2 =	sadd.s32 s2, s4;
	[dreg:$0x0] =	wrdreg $0x0  }
0xa8: {  	s4 =	sshll.u32 s28, $0x1;
	[dreg:$0x2] =	wrdreg s2  }
0xa9: {  	[dreg:$0x3] =	wrdreg s4  }
0xaa: {  	[dreg:$0x4] =	wrdreg $0xC0  }
0xab: {  	_ =	task [dreg:s6], $0x5FFFF  }
0xac: {  	[dreg:$0x1] =	wrdreg $0xFFFFFFFF  }
0xad: {  	[dreg:$0x0] =	wrdreg $0x60  }
0xae: {  	[dreg:$0x2] =	wrdreg s24  }
0xaf: {  	[dreg:$0x3] =	wrdreg $0x0  }
0xb0: {  	[dreg:$0x4] =	wrdreg $0x9  }
0xb1: {  	_ =	task.clear_ibuf [dreg:s6], $0x5FFFF;
	_ =	strace $0x9000004C  }
0xb2: {  	s29 =	simm.s32 $0x9;
	_ =	strace $0x8000004E  }
0xb3: {  	_ =	swait.ge [sflag:s29], $0x1  }
0xb4: {  	[sflag:s29] =	ssyncadd.s32 $0xFFFFFFFF  }
0xb5: {  	_ =	strace $0x9000004E  }
0xb6: {  	_ =	sfence  }
0xb7: {  	s30 =	sld [smem:$0x0];
	_ =	sdelay $0x2  }
0xb8: {  	s31 =	sshll.u32 s1, $0xD;
	s1 =	sshrl.u32 s1, $0x2  }
0xb9: {  	s3 =	sand.u32 $0x4000, s31;
	s1 =	sadd.s32 s1, s30  }
0xba: {  	s0 =	sor.u32 s3, s0;
	s1 =	sshll.u32 s1, $0x11  }
0xbb: {  	s0 =	sor.u32 s1, s0  }
0xbc: {  	s0 =	sadd.s32 $0x8F2B, s0  }
0xbd: {  	[sflag:s0] =	ssyncadd.remote.s32 $0x1  }
0xbe: {  	_ =	sfence.sel $0xFFFF  }
0xbf: {  	[dreg:$0x0] =	wrdreg $0xFFFFFFFF;
	(pc) =	sbr.abs _section_cstart, $3  }
0xc0: {  	[dreg:$0x1] =	wrdreg $0xFFFFFFFF  }
0xc1: {  	_ =	task.clear_ibuf [dreg:s6], $0x2FFFF;
	_ =	strace $0x9FFFFFFF  }
0xc2: {  	(tm) =	ssettm $0x7FFFFFFF  }
0xc3: {  	_ =	shalt  }
tec
execute0_lowered:
.L_overlay_start_1:
0x0: {  	(tag) =	ssettag $0x1  }
0x1: {  	s5 =	rddreg [dreg:$0x0]  }
0x2: {  	s2 =	rddreg [dreg:$0x1]  }
0x3: {  	s0 =	rddreg [dreg:$0x2]  }
0x4: {  	s1 =	stileid.u32;
	s4 =	srdreg.scid  }
0x5: {  	s3 =	simm.s32 $0x0;
	s13 =	simm.s32 $0x2;
	s14 =	simm.s32 $0x14000  }
0x6: {  	s15 =	simm.s32 $0x14080;
	s16 =	simm.s32 $0x80;
	s6 =	smul.u32 $0x3C, s1  }
0x7: {  	s17 =	simm.s32 $0x14100;
	s7 =	sand.u32 $0x1, s4;
	s4 =	smul.u32 $0x62, s1  }
0x8: {  	s18 =	simm.s32 $0x1;
	s19 =	simm.s32 $0x0;
	s8 =	smul.u32 $0x14000, s1  }
0x9: {  	[smem:$0x7FF] =	sst s3;
	s29 =	smul.u32 $0x50000, s1;
	s31 =	sshll.u32 s1, $0x6  }
0xa: {  	p0 =	seq.s32 s7, $0x0;
	_ =	strace $0x8000004D;
	s9 =	smul.u32 $0x140000, s7  }
0xb: {  	s7 =	ssub.s32 $0x2, s7;
	s6 =	sadd.s32 $0x620, s6;
	s28 =	sshrl.u32 s8, $0x3  }
0xc: {  	s10 =	sshrl.u32 s7, $0x1;
	s30 =	sshrl.u32 s29, $0x2;
	s6 =	smov.u32 @p0 s4  }
0xd: {  	s4 =	sadd.s32 $0xB7800, s5;
	s8 =	sadd.s32 s8, s9;
	s10 =	ssub.s32 s7, s10  }
0xe: {  	s12 =	sadd.s32 s30, s2;
	s7 =	sor.u32 $0x1C02, s31;
	s6 =	sshll.u32 s6, $0x4  }
0xf: {  	s8 =	sshrl.u32 s8, $0x3;
	s9 =	smax.u32 s10, $0x1;
	s11 =	sadd.s32 s6, s5  }
0x10: {  	s6 =	sadd.s32 s28, s5;
	s8 =	sadd.s32 s8, s5;
	s5 =	simm.s32 $0x62  }
0x11: {  	s12 =	sshrl.u32 s12, $0x3;
	s6 =	sadd.s32 $0xDF800, s6;
	s5 =	simm.s32 @!p0 $0x3C  }
0x12: {  	s8 =	sadd.s32 $0x107800, s8;
	s10 =	sadd.s32 $0x3400, s11;
	s11 =	sadd.s32 $0x5DA00, s11  }
.LBB2_1:
0x13: {  	[spmem:s12], [sflag:s7] =	dma.local [hbm:s6], $0x2800  }
0x14: {  	_ =	swait.ge [sflag:s13], $0x2800  }
0x15: {  	[sflag:s13] =	ssyncset.done $0x0  }
0x16: {  	[sflag:s13] =	ssyncadd.s32 $0xFFFFD800  }
0x17: {  	[bflag:$0x0] =	sbarrier.arrive $0xFFFF  }
0x18: {  	[tilespmem:s14], [sflag:$0x2] =	stream.linear.gather [hbm4b:s11+s3], $0x80, $0x38;
	[tilespmem:$0x18100] =	vst v63  }
0x19: {  	_ =	swait.ge [sflag:s13], $0x80  }
0x1a: {  	[sflag:s13] =	ssyncset.done $0x0  }
0x1b: {  	[sflag:s13] =	ssyncadd.s32 $0xFFFFFF80  }
0x1c: {  	[tilespmem:s15], [sflag:$0x2] =	stream.linear.gather [hbm4b:s10+s3], $0x80, $0x38;
	[tilespmem:$0x18100] =	vst v63  }
0x1d: {  	_ =	swait.ge [sflag:s13], $0x80  }
0x1e: {  	[sflag:s13] =	ssyncset.done $0x0  }
0x1f: {  	[sflag:s13] =	ssyncadd.s32 $0xFFFFFF80  }
0x20: {  	[tilespmem:s17], [sflag:$0x1] =	stream.indirect.gather [hbm4b:s4+s16], $0x80, s14, s16, $0xb8;
	[tilespmem:$0x18100] =	vst v63  }
0x21: {  	p0 =	sne.s32 s5, $0x1;
	_ =	swait.ge [sflag:s18], $0x4000  }
.Ltmp0:
0x22: {  	[sflag:s18] =	ssyncset.done $0x0;
	(pc) =	sbr.rel @!p0 .LBB2_3-.Ltmp0, $4  }
0x23: {  	[sflag:s18] =	ssyncadd.s32 $0xFFFFC000  }
0x24: {  	[spmem:s2] =	stream.indirect.scatter.add.f32 [tilespmem:s17], [sflag:$0x2], $0x80, s15, s16, $0xb8;
	[tilespmem:$0x18100] =	vst v63  }
0x25: {  	s20 =	sadd.s32 $0xFFFFFFFF, s5;
	_ =	swait.ge [sflag:s13], $0x4000  }
0x26: {  	s21 =	smov.u32 s10;
	s22 =	smov.u32 s11;
	[sflag:s13] =	ssyncset.done $0x0  }
.LBB2_2:
0x27: {  	[sflag:s13] =	ssyncadd.s32 $0xFFFFC000;
	s21 =	sadd.s32 $0x10, s21;
	s22 =	sadd.s32 $0x10, s22  }
0x28: {  	[tilespmem:s14], [sflag:$0x2] =	stream.linear.gather [hbm4b:s22+s3], $0x80, $0x38;
	[tilespmem:$0x18100] =	vst v63  }
0x29: {  	p0 =	sne.s32 s20, $0x1;
	s20 =	sadd.s32 $0xFFFFFFFF, s20;
	_ =	swait.ge [sflag:s13], $0x80  }
0x2a: {  	[sflag:s13] =	ssyncset.done $0x0  }
0x2b: {  	[sflag:s13] =	ssyncadd.s32 $0xFFFFFF80  }
0x2c: {  	[tilespmem:s15], [sflag:$0x2] =	stream.linear.gather [hbm4b:s21+s3], $0x80, $0x38;
	[tilespmem:$0x18100] =	vst v63  }
0x2d: {  	_ =	swait.ge [sflag:s13], $0x80  }
0x2e: {  	[sflag:s13] =	ssyncset.done $0x0  }
0x2f: {  	[sflag:s13] =	ssyncadd.s32 $0xFFFFFF80  }
0x30: {  	[tilespmem:s17], [sflag:$0x1] =	stream.indirect.gather [hbm4b:s4+s16], $0x80, s14, s16, $0xb8;
	[tilespmem:$0x18100] =	vst v63  }
0x31: {  	_ =	swait.ge [sflag:s18], $0x4000  }
.Ltmp1:
0x32: {  	[sflag:s18] =	ssyncset.done $0x0;
	(pc) =	sbr.rel @p0 .LBB2_2-.Ltmp1, $4  }
0x33: {  	[sflag:s18] =	ssyncadd.s32 $0xFFFFC000  }
0x34: {  	[spmem:s2] =	stream.indirect.scatter.add.f32 [tilespmem:s17], [sflag:$0x2], $0x80, s15, s16, $0xb8;
	[tilespmem:$0x18100] =	vst v63  }
0x35: {  	_ =	swait.ge [sflag:s13], $0x4000  }
0x36: {  	[sflag:s13] =	ssyncset.done $0x0  }
.LBB2_3:
0x37: {  	s19 =	sadd.s32 $0x1, s19  }
0x38: {  	[sflag:s13] =	ssyncadd.s32 $0xFFFFC000;
	p0 =	sne.s32 s19, s9  }
.Ltmp2:
0x39: {  	[bflag:$0x0] =	sbarrier.arrive $0xFFFF;
	(pc) =	sbr.rel @p0 .LBB2_1-.Ltmp2, $4  }
0x3a: {  	[hbm:s8], [sflag:s7] =	dma.local [spmem:s12], $0x2800  }
0x3b: {  	_ =	swait.ge [sflag:s13], $0x2800  }
0x3c: {  	[sflag:s13] =	ssyncset.done $0x0  }
0x3d: {  	[sflag:s13] =	ssyncadd.s32 $0xFFFFD800  }
0x3e: {  	_ =	sfence.sel $0x180000  }
0x3f: {  	[bflag:$0x0] =	sbarrier.arrive $0xFFFF  }
0x40: {  	p0 =	sne.s32 s1, $0x0;
	_ =	strace $0x9000004D  }
0x41: {  	s0 =	sadd.s32 @!p0 $0x100000, s0;
	[bflag:$0x2] =	sbarrier.arrive $0xFFFF  }
0x42: {  	[sflag:s0] =	ssyncadd.tile.s32 @!p0 $0x1;
	_ =	shalt  }
.Lfunc_end2:
_tile_overlayer_lowered:
.L_overlay_start_2:
0x43: {  	(tag) =	ssettag $0x2  }
0x44: {  	s0 =	rddreg [dreg:$0x0];
	s2 =	stileid.u32  }
0x45: {  	s1 =	rddreg [dreg:$0x1];
	p0 =	sne.s32 s2, $0x0  }
0x46: {  	s3 =	rddreg [dreg:$0x2];
	[bflag:$0x3] =	sbarrier.arrive $0xFFFF;
	s2 =	simm.s32 @!p0 $0x1C02  }
0x47: {  	[timem:s3], [sflag:s2] =	dma.local @!p0 [hbm:s0], s1  }
0x48: {  	s0 =	simm.s32 @!p0 $0x2  }
0x49: {  	_ =	swait.ge @!p0 [sflag:s0], s1  }
0x4a: {  	s1 =	ssub.s32 @!p0 $0x0, s1;
	[sflag:s0] =	ssyncset.done @!p0 $0x0  }
0x4b: {  	[sflag:s0] =	ssyncadd.s32 @!p0 s1  }
0x4c: {  	[bflag:$0x3] =	sbarrier.arrive $0xFFFF  }
0x4d: {  	_ =	shalt  }

// kernel: kernel.9.cloned.1.call-start
scs
__scs_entry_jumppad:
0x0: {  	(pc) =	sbr.rel $0x88, $3  }
0x1: {  	(tag) =	ssettag $0x0;
	lr =	simm.s32 $0x1  }
0x2: {  	[smem:$0x3F93] =	sst lr;
	_ =	strace $0xD0000000  }
0x3: {  	_ = 	snop  }
0x4: {  	_ = 	snop  }
0x5: {  	_ = 	snop  }
0x6: {  	_ = 	snop  }
0x7: {  	_ = 	snop  }
__scs_overlays_trampoline_lowered:
0x8: {  	[smem:$0x3FA2] =	sst s0  }
0x9: {  	[smem:$0x3FA3] =	sst s1  }
0xa: {  	[smem:$0x3FA4] =	sst s2  }
0xb: {  	[smem:$0x3FA5] =	sst s3  }
0xc: {  	[smem:$0x3FA6] =	sst s4  }
0xd: {  	[smem:$0x3FA7] =	sst s5  }
0xe: {  	[smem:$0x3FA8] =	sst s6  }
0xf: {  	[smem:$0x3FA9] =	sst s7  }
0x10: {  	[smem:$0x3FAA] =	sst s8  }
0x11: {  	[smem:$0x3FAB] =	sst s9;
	s0 =	simm.s32 @!p0 $0x0  }
0x12: {  	s1 =	sld [smem:$0x3F91];
	s0 =	simm.s32 @p0 $0x1  }
0x13: {  	[smem:$0x3FAC] =	sst s0;
	s0 =	simm.s32 @!p1 $0x0  }
0x14: {  	s2 =	sld [smem:$0x3F90];
	s0 =	simm.s32 @p1 $0x1  }
0x15: {  	[smem:$0x3FAD] =	sst s0;
	s0 =	simm.s32 @!p2 $0x0  }
0x16: {  	s3 =	sld [smem:$0x3FDB];
	s0 =	simm.s32 @p2 $0x1  }
0x17: {  	s4 =	simm.s32 $0x1BF5;
	[smem:$0x3FAF] =	sst s0  }
0x18: {  	s0 =	sld [smem:$0x3F92];
	_ =	swait.ge [sflag:s4], $0x0  }
0x19: {  	s7 =	sld [smem:$0x3F93]  }
0x1a: {  	s8 =	sadd.s32 $0xFFFFE003, lr  }
0x1b: {  	s9 =	sadd.s32 $0xFFFFFEF7, lr;
	s5 =	simm.s32 $0xFFFFFFFF;
	p2 =	slt.u32 s8, $0xFFFFF086  }
0x1c: {  	p1 =	slt.u32 s9, $0xF7A;
	s5 =	simm.s32 @!p2 $0x0  }
0x1d: {  	s5 =	simm.s32 @p1 $0x1;
	p0 =	seq.s32 s7, s2  }
0x1e: {  	s7 =	smul.u32 @!p0 $0xF7A, s2;
	p2 =	seq.s32 @!p0 s5, $0x0  }
0x1f: {  	s9 =	smul.u32 $0xF7A, s1;
	s8 =	simm.s32 @!p0 $0x1BF5;
	p2 =	por !p2, p0  }
0x20: {  	[sflag:s8] =	ssyncset.s32 @!p0 $0xFFFFF086;
	s6 =	sadd.s32 @!p0 s3, s7;
	s7 =	simm.s32 @!p0 $0x108  }
0x21: {  	s3 =	sadd.s32 s3, s9;
	s6 =	sadd.s32 @!p0 $0x88, s6;
	s7 =	simm.s32 @p2 $0x1082  }
0x22: {  	[simem:s7], [sflag:s8] =	dma.local @!p0 [hbm:s6], $0xF7A  }
0x23: {  	s9 =	sor.u32 $0xD0000000, s2;
	s6 =	simm.s32 $0x108;
	_ =	swait.ge @!p0 [sflag:s8], $0x0  }
0x24: {  	s3 =	sadd.s32 $0x88, s3;
	s6 =	simm.s32 @!p1 $0x1082;
	[sflag:s4] =	ssyncset.s32 $0xFFFFF086  }
0x25: {  	[simem:s6], [sflag:s4] =	dma.local [hbm:s3], $0xF7A  }
0x26: {  	[smem:$0x3F93] =	sst s1;
	(tag) =	ssettag s2;
	_ =	strace s9  }
0x27: {  	s1 =	sld [smem:$0x3FA3]  }
0x28: {  	s2 =	sld [smem:$0x3FA4]  }
0x29: {  	s4 =	sld [smem:$0x3FA6]  }
0x2a: {  	p0 =	seq.s32 s5, $0x0;
	s5 =	sld [smem:$0x3FA7]  }
0x2b: {  	s6 =	sld [smem:$0x3FA8]  }
0x2c: {  	s7 =	sld [smem:$0x3FA9]  }
0x2d: {  	s3 =	simm.s32 $0x108;
	s8 =	sld [smem:$0x3FAA]  }
0x2e: {  	s3 =	simm.s32 @!p0 $0x1082;
	s9 =	sld [smem:$0x3FAB]  }
0x2f: {  	lr =	sadd.s32 s0, s3;
	s0 =	sld [smem:$0x3FA2]  }
0x30: {  	s3 =	sld [smem:$0x3FA5]  }
0x31: {  	[smem:$0x3FAE] =	sst s10  }
0x32: {  	s10 =	sld [smem:$0x3FAC];
	_ =	sdelay $0x3  }
0x33: {  	p0 =	seq.s32 s10, $0x1;
	s10 =	sld [smem:$0x3FAE];
	_ =	sdelay $0x3  }
0x34: {  	[smem:$0x3FAE] =	sst s10  }
0x35: {  	s10 =	sld [smem:$0x3FAD];
	_ =	sdelay $0x3  }
0x36: {  	p1 =	seq.s32 s10, $0x1;
	s10 =	sld [smem:$0x3FAE];
	_ =	sdelay $0x3  }
0x37: {  	[smem:$0x3FAE] =	sst s10  }
0x38: {  	s10 =	sld [smem:$0x3FAF]  }
0x39: {  	_ = 	snop;
	(pc) =	sbr.ind lr, $3  }
0x3a: {  	_ = 	snop  }
0x3b: {  	_ = 	snop  }
0x3c: {  	p2 =	seq.s32 s10, $0x1;
	s10 =	sld [smem:$0x3FAE]  }
0x3d: {  	_ =	shalt  }
0x3e: {  	_ =	shalt  }
0x3f: {  	_ =	shalt  }
0x40: {  	_ =	shalt  }
0x41: {  	_ =	shalt  }
0x42: {  	_ =	shalt  }
0x43: {  	_ =	shalt  }
0x44: {  	_ =	shalt  }
0x45: {  	_ =	shalt  }
0x46: {  	_ =	shalt  }
0x47: {  	_ =	shalt  }
0x48: {  	_ =	shalt  }
0x49: {  	_ =	shalt  }
0x4a: {  	_ =	shalt  }
0x4b: {  	_ =	shalt  }
0x4c: {  	_ =	shalt  }
0x4d: {  	_ =	shalt  }
0x4e: {  	_ =	shalt  }
0x4f: {  	_ =	shalt  }
0x50: {  	_ =	shalt  }
0x51: {  	_ =	shalt  }
0x52: {  	_ =	shalt  }
0x53: {  	_ =	shalt  }
0x54: {  	_ =	shalt  }
0x55: {  	_ =	shalt  }
0x56: {  	_ =	shalt  }
0x57: {  	_ =	shalt  }
0x58: {  	_ =	shalt  }
0x59: {  	_ =	shalt  }
0x5a: {  	_ =	shalt  }
0x5b: {  	_ =	shalt  }
0x5c: {  	_ =	shalt  }
0x5d: {  	_ =	shalt  }
0x5e: {  	_ =	shalt  }
0x5f: {  	_ =	shalt  }
0x60: {  	_ =	shalt  }
0x61: {  	_ =	shalt  }
0x62: {  	_ =	shalt  }
0x63: {  	_ =	shalt  }
0x64: {  	_ =	shalt  }
0x65: {  	_ =	shalt  }
0x66: {  	_ =	shalt  }
0x67: {  	_ =	shalt  }
0x68: {  	_ =	shalt  }
0x69: {  	_ =	shalt  }
0x6a: {  	_ =	shalt  }
0x6b: {  	_ =	shalt  }
0x6c: {  	_ =	shalt  }
0x6d: {  	_ =	shalt  }
0x6e: {  	_ =	shalt  }
0x6f: {  	_ =	shalt  }
0x70: {  	_ =	shalt  }
0x71: {  	_ =	shalt  }
0x72: {  	_ =	shalt  }
0x73: {  	_ =	shalt  }
0x74: {  	_ =	shalt  }
0x75: {  	_ =	shalt  }
0x76: {  	_ =	shalt  }
0x77: {  	_ =	shalt  }
0x78: {  	_ =	shalt  }
0x79: {  	_ =	shalt  }
0x7a: {  	_ =	shalt  }
0x7b: {  	_ =	shalt  }
0x7c: {  	_ =	shalt  }
0x7d: {  	_ =	shalt  }
0x7e: {  	_ =	shalt  }
0x7f: {  	_ =	shalt  }
0x80: {  	_ =	shalt  }
0x81: {  	_ =	shalt  }
0x82: {  	_ =	shalt  }
0x83: {  	_ =	shalt  }
0x84: {  	_ =	shalt  }
0x85: {  	_ =	shalt  }
0x86: {  	_ =	shalt  }
0x87: {  	_ =	shalt  }
.Lfunc_end0:
.L_simem_size_0:
called_computation_lowered:
.L_overlay_start_0:
0x88: {  	s2 =	sld [smem:$0x3FD9]  }
0x89: {  	s3 =	sld [smem:$0x3FFE];
	_ =	sdelay $0x1  }
0x8a: {  	s1 =	srdreg.scid  }
0x8b: {  	s0 =	sand.u32 $0x1, s1  }
0x8c: {  	s17 =	sshll.u32 s0, $0xA;
	s2 =	sadd.s32 s3, s2  }
0x8d: {  	s2 =	sadd.s32 s2, s17  }
0x8e: {  	[smem:$0x3FBA] =	sst s2  }
0x8f: {  	_ = 	snop  }
0x90: {  	s2 =	sld [smem:$0x3FD0];
	(tm) =	ssettm $0x1  }
0x91: {  	s18 =	sld [smem:$0x3FFB];
	_ =	sdelay $0x3  }
0x92: {  	_ =	strace s18  }
0x93: {  	s3 =	sld [smem:$0x3FFC];
	_ =	sdelay $0x3  }
0x94: {  	_ =	strace s3  }
0x95: {  	s3 =	sld [smem:$0x3FFD];
	_ =	sdelay $0x3  }
0x96: {  	_ =	strace s3  }
0x97: {  	_ =	strace $0x8FFFFFFF  }
0x98: {  	s19 =	sld [smem:$0x3FDB];
	_ =	sdelay $0x1  }
0x99: {  	s4 =	simm.s32 $_scs_section_size  }
0x9a: {  	s5 =	simm.s32 $_size__tile_overlayer_lowered;
	s6 =	simm.s32 $_tile_overlayer_lowered  }
0x9b: {  	s22 =	simm.s32 $0x1BFF;
	s21 =	sshll.u32 s6, $0x1;
	s3 =	sadd.s32 s4, s19  }
0x9c: {  	s7 =	simm.s32 $0x0;
	s20 =	sshll.u32 s5, $0x1;
	s5 =	sadd.s32 s21, s3  }
0x9d: {  	[timem:s7], [sflag:s22] =	dma.local [hbm:s5], s20  }
0x9e: {  	_ =	swait.ge [sflag:s22], s20  }
0x9f: {  	s4 =	ssub.s32 $0x0, s20;
	[sflag:s22] =	ssyncset.done $0x0  }
0xa0: {  	[sflag:s22] =	ssyncadd.s32 s4;
	_ =	sdelay $0x1  }
0xa1: {  	s23 =	simm.s32 $0x1B8B  }
0xa2: {  	_ =	swait.ge [sflag:s23], $0x1  }
0xa3: {  	[sflag:s23] =	ssyncset.done $0x0  }
0xa4: {  	s25 =	simm.s32 $0x1B8E;
	s24 =	sld [smem:$0x3FFE];
	[sflag:s23] =	ssyncadd.s32 $0xFFFFFFFF  }
0xa5: {  	s26 =	simm.s32 $execute0_lowered;
	[smem:$0x3FD2] =	sst s25  }
0xa6: {  	s5 =	sshll.u32 s26, $0x1;
	_ =	strace $0x80000046;
	[dreg:$0x1] =	wrdreg $0xFFFFFFFF  }
0xa7: {  	s28 =	simm.s32 $_size_execute0_lowered;
	s3 =	sadd.s32 s3, s5;
	[dreg:$0x0] =	wrdreg $0x0  }
0xa8: {  	s5 =	sshll.u32 s28, $0x1;
	[dreg:$0x2] =	wrdreg s3  }
0xa9: {  	[dreg:$0x3] =	wrdreg s5  }
0xaa: {  	[dreg:$0x4] =	wrdreg $0xC0  }
0xab: {  	_ =	task [dreg:s7], $0x5FFFF  }
0xac: {  	[dreg:$0x1] =	wrdreg $0xFFFFFFFF  }
0xad: {  	[dreg:$0x0] =	wrdreg $0x60  }
0xae: {  	[dreg:$0x2] =	wrdreg s24  }
0xaf: {  	[dreg:$0x3] =	wrdreg s2  }
0xb0: {  	[dreg:$0x4] =	wrdreg $0x0  }
0xb1: {  	[dreg:$0x5] =	wrdreg $0x9  }
0xb2: {  	_ =	task.clear_ibuf [dreg:s7], $0x6FFFF;
	_ =	strace $0x90000046  }
0xb3: {  	s29 =	simm.s32 $0x9;
	_ =	strace $0x80000048  }
0xb4: {  	_ =	swait.ge [sflag:s29], $0x1  }
0xb5: {  	[sflag:s29] =	ssyncadd.s32 $0xFFFFFFFF  }
0xb6: {  	_ =	strace $0x90000048  }
0xb7: {  	_ =	sfence  }
0xb8: {  	s30 =	sld [smem:$0x0];
	_ =	sdelay $0x2  }
0xb9: {  	s31 =	sshll.u32 s1, $0xD;
	s1 =	sshrl.u32 s1, $0x2  }
0xba: {  	s3 =	sand.u32 $0x4000, s31;
	s1 =	sadd.s32 s1, s30  }
0xbb: {  	s0 =	sor.u32 s3, s0;
	s1 =	sshll.u32 s1, $0x11  }
0xbc: {  	s0 =	sor.u32 s1, s0  }
0xbd: {  	s0 =	sadd.s32 $0x8F2B, s0  }
0xbe: {  	[sflag:s0] =	ssyncadd.remote.s32 $0x1  }
0xbf: {  	_ =	sfence.sel $0xFFFF  }
0xc0: {  	[dreg:$0x0] =	wrdreg $0xFFFFFFFF;
	(pc) =	sbr.abs _section_cstart, $3  }
0xc1: {  	[dreg:$0x1] =	wrdreg $0xFFFFFFFF  }
0xc2: {  	_ =	task.clear_ibuf [dreg:s7], $0x2FFFF;
	_ =	strace $0x9FFFFFFF  }
0xc3: {  	(tm) =	ssettm $0x7FFFFFFF  }
tec
execute0_lowered:
.L_overlay_start_1:
0x0: {  	(tag) =	ssettag $0x1  }
0x1: {  	s4 =	rddreg [dreg:$0x0]  }
0x2: {  	s8 =	rddreg [dreg:$0x1]  }
0x3: {  	s2 =	rddreg [dreg:$0x2]  }
0x4: {  	s0 =	rddreg [dreg:$0x3]  }
0x5: {  	s1 =	stileid.u32;
	s5 =	srdreg.scid  }
0x6: {  	s3 =	simm.s32 $0x0;
	s14 =	simm.s32 $0x300;
	s6 =	smul.u32 $0x3C, s1  }
0x7: {  	s15 =	simm.s32 $0x80;
	s16 =	simm.s32 $0x20;
	s7 =	smul.u32 $0x62, s1  }
0x8: {  	s17 =	simm.s32 $0x10;
	s18 =	simm.s32 $0x0;
	s9 =	smul.u32 $0x280, s1  }
0x9: {  	s5 =	sand.u32 $0x1, s5;
	[smem:$0x7FF] =	sst s3;
	s12 =	smul.u32 $0x500, s1  }
0xa: {  	s30 =	sshll.u32 s1, $0x6;
	p0 =	seq.s32 s5, $0x0;
	_ =	strace $0x80000047  }
0xb: {  	s28 =	ssub.s32 $0x2, s5;
	s29 =	sshll.u32 s5, $0x7;
	s6 =	sadd.s32 $0x620, s6  }
0xc: {  	s25 =	sshrl.u32 s9, $0x3;
	s11 =	sshrl.u32 s28, $0x1;
	s13 =	sadd.s32 s9, s2  }
0xd: {  	s31 =	sor.u32 s29, s12;
	s12 =	simm.s32 $0x1;
	s6 =	smov.u32 @p0 s7  }
0xe: {  	s26 =	sadd.s32 s25, s4;
	s11 =	ssub.s32 s28, s11;
	s7 =	simm.s32 $0x62  }
0xf: {  	s9 =	sshrl.u32 s31, $0x3;
	s6 =	sshll.u32 s6, $0x4;
	s5 =	sadd.s32 $0xD200, s26  }
0x10: {  	s7 =	simm.s32 @!p0 $0x3C;
	s8 =	sadd.s32 s8, s9;
	s9 =	smax.u32 s11, $0x1  }
0x11: {  	s11 =	sshrl.u32 s13, $0x3;
	s13 =	simm.s32 $0x280;
	s10 =	sadd.s32 s6, s4  }
0x12: {  	s4 =	sadd.s32 $0xD800, s4;
	s6 =	sor.u32 $0x1C01, s30;
	s10 =	sadd.s32 $0x3400, s10  }
.LBB2_1:
0x13: {  	[spmem:s11], [sflag:s6] =	dma.local [hbm:s5], $0x50  }
0x14: {  	_ =	swait.ge [sflag:s12], $0x50  }
0x15: {  	[sflag:s12] =	ssyncset.done $0x0  }
0x16: {  	[sflag:s12] =	ssyncadd.s32 $0xFFFFFFB0  }
0x17: {  	[tilespmem:s13], [sflag:$0x1] =	stream.linear.gather [hbm4b:s4+s3], $0x80, $0x38;
	[tilespmem:$0x380] =	vst v63  }
0x18: {  	_ =	swait.ge [sflag:s12], $0x80  }
0x19: {  	[sflag:s12] =	ssyncset.done $0x0  }
0x1a: {  	[sflag:s12] =	ssyncadd.s32 $0xFFFFFF80  }
0x1b: {  	[bflag:$0x0] =	sbarrier.arrive $0xFFFF  }
0x1c: {  	[tilespmem:s14], [sflag:$0x1] =	stream.linear.gather [hbm4b:s10+s3], $0x80, $0x38;
	[tilespmem:$0x380] =	vst v63  }
0x1d: {  	p0 =	sne.s32 s7, $0x1;
	_ =	swait.ge [sflag:s12], $0x80  }
.Ltmp0:
0x1e: {  	[sflag:s12] =	ssyncset.done $0x0;
	(pc) =	sbr.rel @!p0 .LBB2_3-.Ltmp0, $4  }
0x1f: {  	[sflag:s12] =	ssyncadd.s32 $0xFFFFFF80  }
0x20: {  	[spmem:s2] =	stream.indirect.scatter.add.f32 [tilespmem:s13], [sflag:$0x1], $0x1, s14, s15, $0xb8;
	[tilespmem:$0x380] =	vst v63  }
0x21: {  	_ =	swait.ge [sflag:s12], $0x80  }
0x22: {  	s19 =	sadd.s32 $0xFFFFFFFF, s7;
	s20 =	smov.u32 s10;
	[sflag:s12] =	ssyncset.done $0x0  }
.LBB2_2:
0x23: {  	p0 =	sne.s32 s19, $0x1;
	[sflag:s12] =	ssyncadd.s32 $0xFFFFFF80;
	s20 =	sadd.s32 $0x10, s20  }
0x24: {  	[tilespmem:s14], [sflag:$0x1] =	stream.linear.gather [hbm4b:s20+s3], $0x80, $0x38;
	[tilespmem:$0x380] =	vst v63  }
0x25: {  	s19 =	sadd.s32 $0xFFFFFFFF, s19;
	_ =	swait.ge [sflag:s12], $0x80  }
.Ltmp1:
0x26: {  	[sflag:s12] =	ssyncset.done $0x0;
	(pc) =	sbr.rel @p0 .LBB2_2-.Ltmp1, $4  }
0x27: {  	[sflag:s12] =	ssyncadd.s32 $0xFFFFFF80  }
0x28: {  	[spmem:s2] =	stream.indirect.scatter.add.f32 [tilespmem:s13], [sflag:$0x1], $0x1, s14, s15, $0xb8;
	[tilespmem:$0x380] =	vst v63  }
0x29: {  	_ =	swait.ge [sflag:s12], $0x80  }
0x2a: {  	[sflag:s12] =	ssyncset.done $0x0  }
.LBB2_3:
0x2b: {  	s18 =	sadd.s32 $0x1, s18  }
0x2c: {  	[sflag:s12] =	ssyncadd.s32 $0xFFFFFF80;
	p0 =	sne.s32 s18, s9  }
.Ltmp2:
0x2d: {  	[bflag:$0x0] =	sbarrier.arrive $0xFFFF;
	(pc) =	sbr.rel @p0 .LBB2_1-.Ltmp2, $4  }
0x2e: {  	[hbm:s8@s16], [sflag:s6] =	dma.strided [spmem:s11@s17], $0x50, s12, $0x10   }
0x2f: {  	_ =	swait.ge [sflag:s12], $0x50  }
0x30: {  	[sflag:s12] =	ssyncset.done $0x0  }
0x31: {  	[sflag:s12] =	ssyncadd.s32 $0xFFFFFFB0  }
0x32: {  	_ =	sfence.sel $0x180000  }
0x33: {  	[bflag:$0x0] =	sbarrier.arrive $0xFFFF  }
0x34: {  	p0 =	sne.s32 s1, $0x0;
	_ =	strace $0x90000047  }
0x35: {  	s0 =	sadd.s32 @!p0 $0x100000, s0;
	[bflag:$0x2] =	sbarrier.arrive $0xFFFF  }
0x36: {  	[sflag:s0] =	ssyncadd.tile.s32 @!p0 $0x1;
	_ =	shalt  }
.Lfunc_end2:
_tile_overlayer_lowered:
.L_overlay_start_2:
0x37: {  	(tag) =	ssettag $0x2  }
0x38: {  	s0 =	rddreg [dreg:$0x0];
	s2 =	stileid.u32  }
0x39: {  	s1 =	rddreg [dreg:$0x1];
	p0 =	sne.s32 s2, $0x0  }
0x3a: {  	s3 =	rddreg [dreg:$0x2];
	[bflag:$0x3] =	sbarrier.arrive $0xFFFF;
	s2 =	simm.s32 @!p0 $0x1C01  }
0x3b: {  	[timem:s3], [sflag:s2] =	dma.local @!p0 [hbm:s0], s1  }
0x3c: {  	s0 =	simm.s32 @!p0 $0x1  }
0x3d: {  	_ =	swait.ge @!p0 [sflag:s0], s1  }
0x3e: {  	s1 =	ssub.s32 @!p0 $0x0, s1;
	[sflag:s0] =	ssyncset.done @!p0 $0x0  }
0x3f: {  	[sflag:s0] =	ssyncadd.s32 @!p0 s1  }
0x40: {  	[bflag:$0x3] =	sbarrier.arrive $0xFFFF  }
0x41: {  	_ =	shalt  }

</sc_bundles>
